<compile_context>
chip_gen: v7x
topology: tpu7x:2x2x1
jax: 0.10.2.dev20260603
libtpu: 0.0.44.dev20260713+nightly
codegen_flags: <defaults>
</compile_context>

<pallas_src>
import functools

import jax
import jax.numpy as jnp
from jax import lax
from jax.experimental import pallas as pl
from jax.experimental.pallas import tpu as pltpu
from jax.experimental.pallas import tpu_sc as plsc

H = 64
MEM = 8
SEQ = 64
VOCAB = 66
NOUT = 64
B = 16384
BT = 2048
NW = 32
BSC = 8192
BPW = BSC // NW



def _fold_body(emb_ref, w1_ref, b1_ref, t2_ref):
    emb = emb_ref[...]
    w1 = w1_ref[...]
    dn = (((1,), (1,)), ((), ()))
    t2_ref[:, :H] = jax.lax.dot_general(
        emb, w1[:, :H], dn, preferred_element_type=jnp.float32) + b1_ref[...]
    t2_ref[:, H:] = jax.lax.dot_general(
        emb, w1[:, H:], dn, preferred_element_type=jnp.float32) * (1.0 / MEM)


def _fold(embed, W1, b1):
    return pl.pallas_call(
        _fold_body,
        out_shape=jax.ShapeDtypeStruct((VOCAB, 2 * H), jnp.float32),
    )(embed, W1, b1)



def _make_sc_gather():
    mesh = plsc.VectorSubcoreMesh(core_axis_name="c", subcore_axis_name="s")

    @functools.partial(
        pl.kernel, mesh=mesh,
        out_type=jax.ShapeDtypeStruct((BSC, H), jnp.float32),
        scratch_types=[
            pltpu.VMEM((VOCAB * 2 * H,), jnp.float32),
            pltpu.VMEM((BPW // 8, 128), jnp.int32),
            pltpu.VMEM((BPW, H), jnp.float32),
        ],
    )
    def sc_gather(t2_hbm, idx_hbm, out_hbm, t2_v, idx_v, acc_v):
        wid = lax.axis_index("s") * 2 + lax.axis_index("c")
        base = wid * BPW
        pltpu.sync_copy(t2_hbm, t2_v)
        row0 = pl.multiple_of(base // 8, 8)
        pltpu.sync_copy(idx_hbm.at[pl.ds(row0, BPW // 8)], idx_v)

        def accum_row(r, tv):
            offs = [tv[j] for j in range(9)]
            for c in range(4):
                ls = [t2_v[pl.ds(offs[0] + c * 16, 16)]]
                ls += [t2_v[pl.ds(offs[j] + (H + c * 16), 16)]
                       for j in range(1, 9)]
                s0 = (ls[0] + ls[1]) + (ls[2] + ls[3])
                s1 = (ls[4] + ls[5]) + (ls[6] + ls[7])
                acc_v[r, pl.ds(c * 16, 16)] = (s0 + s1) + ls[8]

        @plsc.parallel_loop(0, BPW // 2, unroll=2)
        def body(g):
            tv0 = idx_v[g // 4, pl.ds((g % 4) * 32, 16)] * (2 * H)
            tv1 = idx_v[g // 4, pl.ds((g % 4) * 32 + 16, 16)] * (2 * H)
            accum_row(2 * g, tv0)
            accum_row(2 * g + 1, tv1)

        out0 = pl.multiple_of(base, 8)
        pltpu.sync_copy(acc_v, out_hbm.at[pl.ds(out0, BPW)])

    return sc_gather


_sc_gather = _make_sc_gather()



def _mlp_body(buf_ref, pre_ref, w2_ref, b2_ref, out_ref):
    del buf_ref
    h = jnp.maximum(pre_ref[...], 0.0)
    dn = (((1,), (1,)), ((), ()))
    out_ref[...] = jax.lax.dot_general(
        h, w2_ref[...], dn, preferred_element_type=jnp.float32) + b2_ref[...]


def _mlp(buf, pre, W2, b2):
    return pl.pallas_call(
        _mlp_body,
        grid=(BSC // BT,),
        in_specs=[
            pl.BlockSpec(memory_space=pl.ANY),
            pl.BlockSpec((BT, H), lambda i: (i, 0)),
            pl.BlockSpec((NOUT, H), lambda i: (0, 0)),
            pl.BlockSpec((1, NOUT), lambda i: (0, 0)),
        ],
        out_specs=pl.BlockSpec((BT, NOUT), lambda i: (i, 0)),
        out_shape=jax.ShapeDtypeStruct((B, NOUT), jnp.float32),
        input_output_aliases={0: 0},
    )(buf, pre, W2, b2)



def _fused_body(idx_ref, emb_ref, w1_ref, b1_ref, w2_ref, b2_ref, out_ref):
    emb = emb_ref[...]
    w1 = w1_ref[...]
    dn = (((1,), (1,)), ((), ()))
    eq = jax.lax.dot_general(emb, w1[:, :H], dn,
                             preferred_element_type=jnp.float32) + b1_ref[...]
    em = jax.lax.dot_general(emb, w1[:, H:], dn,
                             preferred_element_type=jnp.float32) * (1.0 / MEM)

    idx = idx_ref[...].astype(jnp.int32)
    iota = jax.lax.broadcasted_iota(jnp.int32, (1, VOCAB), 1)
    q1 = (idx[:, 0:1] == iota).astype(jnp.float32)
    cnt = (idx[:, 1:2] == iota).astype(jnp.float32)
    for j in range(2, MEM + 1):
        cnt += (idx[:, j:j + 1] == iota).astype(jnp.float32)

    pre = (jnp.dot(q1, eq, preferred_element_type=jnp.float32)
           + jnp.dot(cnt, em, preferred_element_type=jnp.float32))
    h = jnp.maximum(pre, 0.0)
    out_ref[...] = jax.lax.dot_general(h, w2_ref[...], dn,
                                       preferred_element_type=jnp.float32) + b2_ref[...]


FBT = 2048


def _fused(idx8, embed, W1, b1, W2, b2):
    nrows = B - BSC
    blk0 = BSC // FBT
    return pl.pallas_call(
        _fused_body,
        grid=(nrows // FBT,),
        in_specs=[
            pl.BlockSpec((FBT, 16), lambda i: (i + blk0, 0)),
            pl.BlockSpec((VOCAB, H), lambda i: (0, 0)),
            pl.BlockSpec((H, 2 * H), lambda i: (0, 0)),
            pl.BlockSpec((1, H), lambda i: (0, 0)),
            pl.BlockSpec((NOUT, H), lambda i: (0, 0)),
            pl.BlockSpec((1, NOUT), lambda i: (0, 0)),
        ],
        out_specs=pl.BlockSpec((FBT, NOUT), lambda i: (i + blk0, 0)),
        out_shape=jax.ShapeDtypeStruct((B, NOUT), jnp.float32),
    )(idx8, embed, W1, b1, W2, b2)


@jax.jit
def _run(idx8_16, idx8_pad, embed, W1, b1, W2, b2):
    t2 = _fold(embed, W1, b1).reshape(-1)
    pre = _sc_gather(t2, idx8_pad)
    buf = _fused(idx8_16, embed, W1, b1, W2, b2)
    return _mlp(buf, pre, W2, b2)


def kernel(seqs, query_tok, embed, W1, b1, W2, b2):
    start = SEQ - 1 - MEM
    idx16 = jnp.concatenate(
        [query_tok[:, None], seqs[:, start:SEQ - 1],
         jnp.zeros((B, 16 - (MEM + 1)), jnp.int32)],
        axis=1).astype(jnp.int32)
    idx2d = idx16.reshape(B // 8, 128)
    return _run(idx16, idx2d, embed, W1,
                b1.reshape(1, H), W2, b2.reshape(1, NOUT))

# --- scband reference (transcript-rebuilt; emitter-appended) ---
"""Pipeline reference for scband-no-consolidation-model-77068893160211 (READ-ONLY COPY).

The authoritative reference and input builder live on the scoring server;
editing this copy changes nothing except your own understanding.
"""

import jax, jax.numpy as jnp
import numpy as np

HIDDEN_DIM = 64
MEMORY_SLOTS = 8
SEQ_LEN = 64
VOCAB_SIZE = 64
B = 16384


def setup_inputs(seed: int = 0) -> dict:
    key = jax.random.key(seed)
    k1, k2, k3, k4, k5, k6, k7 = jax.random.split(key, 7)
    seqs = jax.random.randint(k1, (B, SEQ_LEN), 0, VOCAB_SIZE + 2, dtype=jnp.int64 if jax.config.jax_enable_x64 else jnp.int32)
    query_tok = jax.random.randint(k2, (B,), 0, VOCAB_SIZE + 2, dtype=jnp.int64 if jax.config.jax_enable_x64 else jnp.int32)
    embed = jax.random.normal(k3, (VOCAB_SIZE + 2, HIDDEN_DIM), dtype=jnp.float32)
    W1 = jax.random.normal(k4, (HIDDEN_DIM, HIDDEN_DIM * 2), dtype=jnp.float32) * (1.0 / np.sqrt(HIDDEN_DIM * 2))
    b1 = jnp.zeros((HIDDEN_DIM,), dtype=jnp.float32)
    W2 = jax.random.normal(k5, (VOCAB_SIZE, HIDDEN_DIM), dtype=jnp.float32) * (1.0 / np.sqrt(HIDDEN_DIM))
    b2 = jnp.zeros((VOCAB_SIZE,), dtype=jnp.float32)
    return {"seqs": seqs, "query_tok": query_tok, "embed": embed, "W1": W1, "b1": b1, "W2": W2, "b2": b2}


def reference(seqs, query_tok, embed, W1, b1, W2, b2):
    # The torch loop keeps only the last MEMORY_SLOTS embeddings of
    # seqs[b, 0 : SEQ_LEN-1], i.e. tokens at positions
    # [SEQ_LEN-1-MEMORY_SLOTS, SEQ_LEN-1) = [55, 63).
    start = SEQ_LEN - 1 - MEMORY_SLOTS
    mem_tokens = seqs[:, start:SEQ_LEN - 1]            # [B, MEMORY_SLOTS]
    mem_emb = jnp.take(embed, mem_tokens, axis=0)      # [B, MEMORY_SLOTS, H]
    mem_summary = mem_emb.mean(axis=1)                 # [B, H]
    q_emb = jnp.take(embed, query_tok, axis=0)         # [B, H]
    h = jnp.concatenate([q_emb, mem_summary], axis=-1) # [B, 2H]
    h = jax.nn.relu(h @ W1.T + b1)
    logits = h @ W2.T + b2                             # [B, VOCAB_SIZE]
    return logits

if __name__ == "__main__":
    import jax
    _d = setup_inputs()
    print(jax.jit(kernel)(*tuple(_d.values())))

</pallas_src>

<mosaic_0001>
#map = affine_map<(d0, d1) -> (0)>
#map1 = affine_map<(d0, d1) -> (0, 0)>
module attributes {stable_mosaic.version = 14 : i64} {
  func.func @sc_gather(%arg0: i32, %arg1: i32, %arg2: memref<8448xf32, #tpu.memory_space<hbm>>, %arg3: memref<2048x128xi32, #tpu.memory_space<hbm>>, %arg4: memref<8192x64xf32, #tpu.memory_space<hbm>>, %arg5: memref<8448xf32, #tpu.memory_space<vmem>>, %arg6: memref<32x128xi32, #tpu.memory_space<vmem>>, %arg7: memref<256x64xf32, #tpu.memory_space<vmem>>) attributes {dimension_semantics = [#tpu.dimension_semantics<core_parallel>, #tpu.dimension_semantics<subcore_parallel>], iteration_bounds = array<i64: 2, 16>, scalar_prefetch = 0 : i64, scratch_operands = 3 : i64, tpu.core_type = #tpu.core_type<sc_vector_subcore>, window_params = [{transform_indices = #map}, {transform_indices = #map1}, {transform_indices = #map1}]} {
    %mul3A = arith.constant 2 : i32
    %mul3A_0 = arith.muli %arg1, %mul3A : i32
    %add3A = arith.addi %mul3A_0, %arg0 : i32
    %mul3A_1 = arith.constant 256 : i32
    %mul3A_2 = arith.muli %add3A, %mul3A_1 : i32
    "tpu.region"() ({
      %run_scoped3A = tpu.sem_alloc : memref<!tpu.dma_semaphore, #tpu.memory_space<semaphore_mem>>
      tpu.enqueue_dma source(%arg2 : memref<8448xf32, #tpu.memory_space<hbm>>) target(%arg5 : memref<8448xf32, #tpu.memory_space<vmem>>) target_semaphore(%run_scoped3A : memref<!tpu.dma_semaphore, #tpu.memory_space<semaphore_mem>>)
      tpu.wait_dma2 semaphore(%run_scoped3A : memref<!tpu.dma_semaphore, #tpu.memory_space<semaphore_mem>>) src(%arg2 : memref<8448xf32, #tpu.memory_space<hbm>>) dst(%arg5 : memref<8448xf32, #tpu.memory_space<vmem>>)
      tpu.yield
    }) : () -> ()
    %jit3A = arith.constant 8 : i32
    %div3A = arith.divsi %mul3A_2, %jit3A : i32
    %sign3A = arith.constant 0 : i32
    %sign3A_3 = arith.cmpi sgt, %mul3A_2, %sign3A : i32
    %sign3A_4 = arith.extui %sign3A_3 : i1 to i32
    %sign3A_5 = arith.constant 0 : i32
    %sign3A_6 = arith.cmpi slt, %mul3A_2, %sign3A_5 : i32
    %sign3A_7 = arith.extui %sign3A_6 : i1 to i32
    %sign3A_8 = arith.subi %sign3A_4, %sign3A_7 : i32
    %sign3A_9 = arith.constant 0 : i32
    %sign3A_10 = arith.cmpi sgt, %jit3A, %sign3A_9 : i32
    %sign3A_11 = arith.extui %sign3A_10 : i1 to i32
    %sign3A_12 = arith.constant 0 : i32
    %sign3A_13 = arith.cmpi slt, %jit3A, %sign3A_12 : i32
    %sign3A_14 = arith.extui %sign3A_13 : i1 to i32
    %sign3A_15 = arith.subi %sign3A_11, %sign3A_14 : i32
    %ne3A = arith.cmpi ne, %sign3A_8, %sign3A_15 : i32
    %rem3A = arith.remsi %mul3A_2, %jit3A : i32
    %ne3A_16 = arith.constant 0 : i32
    %ne3A_17 = arith.cmpi ne, %rem3A, %ne3A_16 : i32
    %and3A = arith.andi %ne3A, %ne3A_17 : i1
    %sub3A = arith.constant 1 : i32
    %sub3A_18 = arith.subi %div3A, %sub3A : i32
    %select_n3A = arith.select %and3A, %sub3A_18, %div3A : i32
    %multiple_of3A = tpu.assume_multiple %select_n3A, 8 : i32
    "tpu.region"() ({
      %run_scoped3A = tpu.sem_alloc : memref<!tpu.dma_semaphore, #tpu.memory_space<semaphore_mem>>
      %dma_start3A = arith.constant 0 : i32
      %dma_start3A_22 = tpu.memref_slice %arg3[%multiple_of3A, %dma_start3A] : memref<2048x128xi32, #tpu.memory_space<hbm>> -> memref<32x128xi32, #tpu.memory_space<hbm>>
      %dma_start3A_23 = arith.constant 0 : i32
      %dma_start3A_24 = tpu.memref_slice %arg3[%multiple_of3A, %dma_start3A_23] : memref<2048x128xi32, #tpu.memory_space<hbm>> -> memref<32x128xi32, #tpu.memory_space<hbm>>
      tpu.enqueue_dma source(%dma_start3A_24 : memref<32x128xi32, #tpu.memory_space<hbm>>) target(%arg6 : memref<32x128xi32, #tpu.memory_space<vmem>>) target_semaphore(%run_scoped3A : memref<!tpu.dma_semaphore, #tpu.memory_space<semaphore_mem>>)
      %dma_wait3A = arith.constant 0 : i32
      %dma_wait3A_25 = tpu.memref_slice %arg3[%multiple_of3A, %dma_wait3A] : memref<2048x128xi32, #tpu.memory_space<hbm>> -> memref<32x128xi32, #tpu.memory_space<hbm>>
      %dma_wait3A_26 = arith.constant 0 : i32
      %dma_wait3A_27 = tpu.memref_slice %arg3[%multiple_of3A, %dma_wait3A_26] : memref<2048x128xi32, #tpu.memory_space<hbm>> -> memref<32x128xi32, #tpu.memory_space<hbm>>
      tpu.wait_dma2 semaphore(%run_scoped3A : memref<!tpu.dma_semaphore, #tpu.memory_space<semaphore_mem>>) src(%dma_wait3A_27 : memref<32x128xi32, #tpu.memory_space<hbm>>) dst(%arg6 : memref<32x128xi32, #tpu.memory_space<vmem>>)
      tpu.yield
    }) : () -> ()
    %parallel_loop3A = arith.constant 0 : i32
    %parallel_loop3A_19 = arith.constant 128 : i32
    %parallel_loop3A_20 = arith.constant 1 : i32
    scf.for %parallel_loop3A_22 = %parallel_loop3A to %parallel_loop3A_19 step %parallel_loop3A_20  : i32 {
      %parallel_loop3A_23 = arith.constant 4 : i32
      %parallel_loop3A_24 = arith.divsi %parallel_loop3A_22, %parallel_loop3A_23 : i32
      %parallel_loop3A_25 = arith.constant 0 : i32
      %parallel_loop3A_26 = arith.cmpi sgt, %parallel_loop3A_22, %parallel_loop3A_25 : i32
      %parallel_loop3A_27 = arith.extui %parallel_loop3A_26 : i1 to i32
      %parallel_loop3A_28 = arith.constant 0 : i32
      %parallel_loop3A_29 = arith.cmpi slt, %parallel_loop3A_22, %parallel_loop3A_28 : i32
      %parallel_loop3A_30 = arith.extui %parallel_loop3A_29 : i1 to i32
      %parallel_loop3A_31 = arith.subi %parallel_loop3A_27, %parallel_loop3A_30 : i32
      %parallel_loop3A_32 = arith.constant 0 : i32
      %parallel_loop3A_33 = arith.cmpi sgt, %parallel_loop3A_23, %parallel_loop3A_32 : i32
      %parallel_loop3A_34 = arith.extui %parallel_loop3A_33 : i1 to i32
      %parallel_loop3A_35 = arith.constant 0 : i32
      %parallel_loop3A_36 = arith.cmpi slt, %parallel_loop3A_23, %parallel_loop3A_35 : i32
      %parallel_loop3A_37 = arith.extui %parallel_loop3A_36 : i1 to i32
      %parallel_loop3A_38 = arith.subi %parallel_loop3A_34, %parallel_loop3A_37 : i32
      %parallel_loop3A_39 = arith.cmpi ne, %parallel_loop3A_31, %parallel_loop3A_38 : i32
      %parallel_loop3A_40 = arith.remsi %parallel_loop3A_22, %parallel_loop3A_23 : i32
      %parallel_loop3A_41 = arith.constant 0 : i32
      %parallel_loop3A_42 = arith.cmpi ne, %parallel_loop3A_40, %parallel_loop3A_41 : i32
      %parallel_loop3A_43 = arith.andi %parallel_loop3A_39, %parallel_loop3A_42 : i1
      %parallel_loop3A_44 = arith.constant 1 : i32
      %parallel_loop3A_45 = arith.subi %parallel_loop3A_24, %parallel_loop3A_44 : i32
      %parallel_loop3A_46 = arith.select %parallel_loop3A_43, %parallel_loop3A_45, %parallel_loop3A_24 : i32
      %parallel_loop3A_47 = arith.constant 4 : i32
      %parallel_loop3A_48 = arith.constant 0 : i32
      %parallel_loop3A_49 = arith.cmpi eq, %parallel_loop3A_47, %parallel_loop3A_48 : i32
      %parallel_loop3A_50 = arith.constant 1 : i32
      %parallel_loop3A_51 = arith.select %parallel_loop3A_49, %parallel_loop3A_50, %parallel_loop3A_47 : i32
      %parallel_loop3A_52 = arith.remsi %parallel_loop3A_22, %parallel_loop3A_51 : i32
      %parallel_loop3A_53 = arith.constant 0 : i32
      %parallel_loop3A_54 = arith.cmpi ne, %parallel_loop3A_52, %parallel_loop3A_53 : i32
      %parallel_loop3A_55 = arith.constant 0 : i32
      %parallel_loop3A_56 = arith.cmpi slt, %parallel_loop3A_52, %parallel_loop3A_55 : i32
      %parallel_loop3A_57 = arith.constant 0 : i32
      %parallel_loop3A_58 = arith.cmpi slt, %parallel_loop3A_51, %parallel_loop3A_57 : i32
      %parallel_loop3A_59 = arith.xori %parallel_loop3A_56, %parallel_loop3A_58 : i1
      %parallel_loop3A_60 = arith.andi %parallel_loop3A_59, %parallel_loop3A_54 : i1
      %parallel_loop3A_61 = arith.addi %parallel_loop3A_52, %parallel_loop3A_51 : i32
      %parallel_loop3A_62 = arith.select %parallel_loop3A_60, %parallel_loop3A_61, %parallel_loop3A_52 : i32
      %parallel_loop3A_63 = arith.constant 32 : i32
      %parallel_loop3A_64 = arith.muli %parallel_loop3A_62, %parallel_loop3A_63 : i32
      %parallel_loop3A_65 = arith.index_cast %parallel_loop3A_46 : i32 to index
      %parallel_loop3A_66 = arith.index_cast %parallel_loop3A_64 : i32 to index
      %parallel_loop3A_67 = tpu.vector_load %arg6[%parallel_loop3A_65, %parallel_loop3A_66] {strides = array<i32>} : memref<32x128xi32, #tpu.memory_space<vmem>>, vector<1x16xi32>,
      %parallel_loop3A_68 = vector.shape_cast %parallel_loop3A_67 : vector<1x16xi32> to vector<16xi32>
      %parallel_loop3A_69 = arith.constant 128 : i32
      %parallel_loop3A_70 = vector.broadcast %parallel_loop3A_69 : i32 to vector<16xi32>
      %parallel_loop3A_71 = arith.muli %parallel_loop3A_68, %parallel_loop3A_70 : vector<16xi32>
      %parallel_loop3A_72 = arith.constant 4 : i32
      %parallel_loop3A_73 = arith.divsi %parallel_loop3A_22, %parallel_loop3A_72 : i32
      %parallel_loop3A_74 = arith.constant 0 : i32
      %parallel_loop3A_75 = arith.cmpi sgt, %parallel_loop3A_22, %parallel_loop3A_74 : i32
      %parallel_loop3A_76 = arith.extui %parallel_loop3A_75 : i1 to i32
      %parallel_loop3A_77 = arith.constant 0 : i32
      %parallel_loop3A_78 = arith.cmpi slt, %parallel_loop3A_22, %parallel_loop3A_77 : i32
      %parallel_loop3A_79 = arith.extui %parallel_loop3A_78 : i1 to i32
      %parallel_loop3A_80 = arith.subi %parallel_loop3A_76, %parallel_loop3A_79 : i32
      %parallel_loop3A_81 = arith.constant 0 : i32
      %parallel_loop3A_82 = arith.cmpi sgt, %parallel_loop3A_72, %parallel_loop3A_81 : i32
      %parallel_loop3A_83 = arith.extui %parallel_loop3A_82 : i1 to i32
      %parallel_loop3A_84 = arith.constant 0 : i32
      %parallel_loop3A_85 = arith.cmpi slt, %parallel_loop3A_72, %parallel_loop3A_84 : i32
      %parallel_loop3A_86 = arith.extui %parallel_loop3A_85 : i1 to i32
      %parallel_loop3A_87 = arith.subi %parallel_loop3A_83, %parallel_loop3A_86 : i32
      %parallel_loop3A_88 = arith.cmpi ne, %parallel_loop3A_80, %parallel_loop3A_87 : i32
      %parallel_loop3A_89 = arith.remsi %parallel_loop3A_22, %parallel_loop3A_72 : i32
      %parallel_loop3A_90 = arith.constant 0 : i32
      %parallel_loop3A_91 = arith.cmpi ne, %parallel_loop3A_89, %parallel_loop3A_90 : i32
      %parallel_loop3A_92 = arith.andi %parallel_loop3A_88, %parallel_loop3A_91 : i1
      %parallel_loop3A_93 = arith.constant 1 : i32
      %parallel_loop3A_94 = arith.subi %parallel_loop3A_73, %parallel_loop3A_93 : i32
      %parallel_loop3A_95 = arith.select %parallel_loop3A_92, %parallel_loop3A_94, %parallel_loop3A_73 : i32
      %parallel_loop3A_96 = arith.constant 4 : i32
      %parallel_loop3A_97 = arith.constant 0 : i32
      %parallel_loop3A_98 = arith.cmpi eq, %parallel_loop3A_96, %parallel_loop3A_97 : i32
      %parallel_loop3A_99 = arith.constant 1 : i32
      %parallel_loop3A_100 = arith.select %parallel_loop3A_98, %parallel_loop3A_99, %parallel_loop3A_96 : i32
      %parallel_loop3A_101 = arith.remsi %parallel_loop3A_22, %parallel_loop3A_100 : i32
      %parallel_loop3A_102 = arith.constant 0 : i32
      %parallel_loop3A_103 = arith.cmpi ne, %parallel_loop3A_101, %parallel_loop3A_102 : i32
      %parallel_loop3A_104 = arith.constant 0 : i32
      %parallel_loop3A_105 = arith.cmpi slt, %parallel_loop3A_101, %parallel_loop3A_104 : i32
      %parallel_loop3A_106 = arith.constant 0 : i32
      %parallel_loop3A_107 = arith.cmpi slt, %parallel_loop3A_100, %parallel_loop3A_106 : i32
      %parallel_loop3A_108 = arith.xori %parallel_loop3A_105, %parallel_loop3A_107 : i1
      %parallel_loop3A_109 = arith.andi %parallel_loop3A_108, %parallel_loop3A_103 : i1
      %parallel_loop3A_110 = arith.addi %parallel_loop3A_101, %parallel_loop3A_100 : i32
      %parallel_loop3A_111 = arith.select %parallel_loop3A_109, %parallel_loop3A_110, %parallel_loop3A_101 : i32
      %parallel_loop3A_112 = arith.constant 32 : i32
      %parallel_loop3A_113 = arith.muli %parallel_loop3A_111, %parallel_loop3A_112 : i32
      %parallel_loop3A_114 = arith.constant 16 : i32
      %parallel_loop3A_115 = arith.addi %parallel_loop3A_113, %parallel_loop3A_114 : i32
      %parallel_loop3A_116 = arith.index_cast %parallel_loop3A_95 : i32 to index
      %parallel_loop3A_117 = arith.index_cast %parallel_loop3A_115 : i32 to index
      %parallel_loop3A_118 = tpu.vector_load %arg6[%parallel_loop3A_116, %parallel_loop3A_117] {strides = array<i32>} : memref<32x128xi32, #tpu.memory_space<vmem>>, vector<1x16xi32>,
      %parallel_loop3A_119 = vector.shape_cast %parallel_loop3A_118 : vector<1x16xi32> to vector<16xi32>
      %parallel_loop3A_120 = arith.constant 128 : i32
      %parallel_loop3A_121 = vector.broadcast %parallel_loop3A_120 : i32 to vector<16xi32>
      %parallel_loop3A_122 = arith.muli %parallel_loop3A_119, %parallel_loop3A_121 : vector<16xi32>
      %parallel_loop3A_123 = arith.constant 2 : i32
      %parallel_loop3A_124 = arith.muli %parallel_loop3A_123, %parallel_loop3A_22 : i32
      %parallel_loop3A_125 = vector.extract_strided_slice %parallel_loop3A_71 {offsets = [0], sizes = [1], strides = [1]} : vector<16xi32> to vector<1xi32>
      %parallel_loop3A_126 = vector.extract %parallel_loop3A_125[0] : i32 from vector<1xi32>
      %parallel_loop3A_127 = vector.extract_strided_slice %parallel_loop3A_71 {offsets = [1], sizes = [1], strides = [1]} : vector<16xi32> to vector<1xi32>
      %parallel_loop3A_128 = vector.extract %parallel_loop3A_127[0] : i32 from vector<1xi32>
      %parallel_loop3A_129 = vector.extract_strided_slice %parallel_loop3A_71 {offsets = [2], sizes = [1], strides = [1]} : vector<16xi32> to vector<1xi32>
      %parallel_loop3A_130 = vector.extract %parallel_loop3A_129[0] : i32 from vector<1xi32>
      %parallel_loop3A_131 = vector.extract_strided_slice %parallel_loop3A_71 {offsets = [3], sizes = [1], strides = [1]} : vector<16xi32> to vector<1xi32>
      %parallel_loop3A_132 = vector.extract %parallel_loop3A_131[0] : i32 from vector<1xi32>
      %parallel_loop3A_133 = vector.extract_strided_slice %parallel_loop3A_71 {offsets = [4], sizes = [1], strides = [1]} : vector<16xi32> to vector<1xi32>
      %parallel_loop3A_134 = vector.extract %parallel_loop3A_133[0] : i32 from vector<1xi32>
      %parallel_loop3A_135 = vector.extract_strided_slice %parallel_loop3A_71 {offsets = [5], sizes = [1], strides = [1]} : vector<16xi32> to vector<1xi32>
      %parallel_loop3A_136 = vector.extract %parallel_loop3A_135[0] : i32 from vector<1xi32>
      %parallel_loop3A_137 = vector.extract_strided_slice %parallel_loop3A_71 {offsets = [6], sizes = [1], strides = [1]} : vector<16xi32> to vector<1xi32>
      %parallel_loop3A_138 = vector.extract %parallel_loop3A_137[0] : i32 from vector<1xi32>
      %parallel_loop3A_139 = vector.extract_strided_slice %parallel_loop3A_71 {offsets = [7], sizes = [1], strides = [1]} : vector<16xi32> to vector<1xi32>
      %parallel_loop3A_140 = vector.extract %parallel_loop3A_139[0] : i32 from vector<1xi32>
      %parallel_loop3A_141 = vector.extract_strided_slice %parallel_loop3A_71 {offsets = [8], sizes = [1], strides = [1]} : vector<16xi32> to vector<1xi32>
      %parallel_loop3A_142 = vector.extract %parallel_loop3A_141[0] : i32 from vector<1xi32>
      %parallel_loop3A_143 = arith.constant 0 : i32
      %parallel_loop3A_144 = arith.addi %parallel_loop3A_126, %parallel_loop3A_143 : i32
      %parallel_loop3A_145 = arith.index_cast %parallel_loop3A_144 : i32 to index
      %parallel_loop3A_146 = tpu.vector_load %arg5[%parallel_loop3A_145] {strides = array<i32>} : memref<8448xf32, #tpu.memory_space<vmem>>, vector<16xf32>,
      %parallel_loop3A_147 = vector.shape_cast %parallel_loop3A_146 : vector<16xf32> to vector<16xf32>
      %parallel_loop3A_148 = arith.constant 64 : i32
      %parallel_loop3A_149 = arith.addi %parallel_loop3A_128, %parallel_loop3A_148 : i32
      %parallel_loop3A_150 = arith.index_cast %parallel_loop3A_149 : i32 to index
      %parallel_loop3A_151 = tpu.vector_load %arg5[%parallel_loop3A_150] {strides = array<i32>} : memref<8448xf32, #tpu.memory_space<vmem>>, vector<16xf32>,
      %parallel_loop3A_152 = vector.shape_cast %parallel_loop3A_151 : vector<16xf32> to vector<16xf32>
      %parallel_loop3A_153 = arith.constant 64 : i32
      %parallel_loop3A_154 = arith.addi %parallel_loop3A_130, %parallel_loop3A_153 : i32
      %parallel_loop3A_155 = arith.index_cast %parallel_loop3A_154 : i32 to index
      %parallel_loop3A_156 = tpu.vector_load %arg5[%parallel_loop3A_155] {strides = array<i32>} : memref<8448xf32, #tpu.memory_space<vmem>>, vector<16xf32>,
      %parallel_loop3A_157 = vector.shape_cast %parallel_loop3A_156 : vector<16xf32> to vector<16xf32>
      %parallel_loop3A_158 = arith.constant 64 : i32
      %parallel_loop3A_159 = arith.addi %parallel_loop3A_132, %parallel_loop3A_158 : i32
      %parallel_loop3A_160 = arith.index_cast %parallel_loop3A_159 : i32 to index
      %parallel_loop3A_161 = tpu.vector_load %arg5[%parallel_loop3A_160] {strides = array<i32>} : memref<8448xf32, #tpu.memory_space<vmem>>, vector<16xf32>,
      %parallel_loop3A_162 = vector.shape_cast %parallel_loop3A_161 : vector<16xf32> to vector<16xf32>
      %parallel_loop3A_163 = arith.constant 64 : i32
      %parallel_loop3A_164 = arith.addi %parallel_loop3A_134, %parallel_loop3A_163 : i32
      %parallel_loop3A_165 = arith.index_cast %parallel_loop3A_164 : i32 to index
      %parallel_loop3A_166 = tpu.vector_load %arg5[%parallel_loop3A_165] {strides = array<i32>} : memref<8448xf32, #tpu.memory_space<vmem>>, vector<16xf32>,
      %parallel_loop3A_167 = vector.shape_cast %parallel_loop3A_166 : vector<16xf32> to vector<16xf32>
      %parallel_loop3A_168 = arith.constant 64 : i32
      %parallel_loop3A_169 = arith.addi %parallel_loop3A_136, %parallel_loop3A_168 : i32
      %parallel_loop3A_170 = arith.index_cast %parallel_loop3A_169 : i32 to index
      %parallel_loop3A_171 = tpu.vector_load %arg5[%parallel_loop3A_170] {strides = array<i32>} : memref<8448xf32, #tpu.memory_space<vmem>>, vector<16xf32>,
      %parallel_loop3A_172 = vector.shape_cast %parallel_loop3A_171 : vector<16xf32> to vector<16xf32>
      %parallel_loop3A_173 = arith.constant 64 : i32
      %parallel_loop3A_174 = arith.addi %parallel_loop3A_138, %parallel_loop3A_173 : i32
      %parallel_loop3A_175 = arith.index_cast %parallel_loop3A_174 : i32 to index
      %parallel_loop3A_176 = tpu.vector_load %arg5[%parallel_loop3A_175] {strides = array<i32>} : memref<8448xf32, #tpu.memory_space<vmem>>, vector<16xf32>,
      %parallel_loop3A_177 = vector.shape_cast %parallel_loop3A_176 : vector<16xf32> to vector<16xf32>
      %parallel_loop3A_178 = arith.constant 64 : i32
      %parallel_loop3A_179 = arith.addi %parallel_loop3A_140, %parallel_loop3A_178 : i32
      %parallel_loop3A_180 = arith.index_cast %parallel_loop3A_179 : i32 to index
      %parallel_loop3A_181 = tpu.vector_load %arg5[%parallel_loop3A_180] {strides = array<i32>} : memref<8448xf32, #tpu.memory_space<vmem>>, vector<16xf32>,
      %parallel_loop3A_182 = vector.shape_cast %parallel_loop3A_181 : vector<16xf32> to vector<16xf32>
      %parallel_loop3A_183 = arith.constant 64 : i32
      %parallel_loop3A_184 = arith.addi %parallel_loop3A_142, %parallel_loop3A_183 : i32
      %parallel_loop3A_185 = arith.index_cast %parallel_loop3A_184 : i32 to index
      %parallel_loop3A_186 = tpu.vector_load %arg5[%parallel_loop3A_185] {strides = array<i32>} : memref<8448xf32, #tpu.memory_space<vmem>>, vector<16xf32>,
      %parallel_loop3A_187 = vector.shape_cast %parallel_loop3A_186 : vector<16xf32> to vector<16xf32>
      %parallel_loop3A_188 = arith.addf %parallel_loop3A_147, %parallel_loop3A_152 : vector<16xf32>
      %parallel_loop3A_189 = arith.addf %parallel_loop3A_157, %parallel_loop3A_162 : vector<16xf32>
      %parallel_loop3A_190 = arith.addf %parallel_loop3A_188, %parallel_loop3A_189 : vector<16xf32>
      %parallel_loop3A_191 = arith.addf %parallel_loop3A_167, %parallel_loop3A_172 : vector<16xf32>
      %parallel_loop3A_192 = arith.addf %parallel_loop3A_177, %parallel_loop3A_182 : vector<16xf32>
      %parallel_loop3A_193 = arith.addf %parallel_loop3A_191, %parallel_loop3A_192 : vector<16xf32>
      %parallel_loop3A_194 = arith.addf %parallel_loop3A_190, %parallel_loop3A_193 : vector<16xf32>
      %parallel_loop3A_195 = arith.addf %parallel_loop3A_194, %parallel_loop3A_187 : vector<16xf32>
      %parallel_loop3A_196 = arith.index_cast %parallel_loop3A_124 : i32 to index
      %parallel_loop3A_197 = arith.constant 0 : index
      %parallel_loop3A_198 = tpu.vector_load %arg7[%parallel_loop3A_196, %parallel_loop3A_197] {strides = array<i32>} : memref<256x64xf32, #tpu.memory_space<vmem>>, vector<1x16xf32>,
      %parallel_loop3A_199 = vector.shape_cast %parallel_loop3A_198 : vector<1x16xf32> to vector<16xf32>
      %parallel_loop3A_200 = vector.shape_cast %parallel_loop3A_195 : vector<16xf32> to vector<1x16xf32>
      tpu.vector_store %arg7[%parallel_loop3A_196, %parallel_loop3A_197], %parallel_loop3A_200 {strides = array<i32>} : memref<256x64xf32, #tpu.memory_space<vmem>>, vector<1x16xf32>,
      %parallel_loop3A_201 = arith.constant 16 : i32
      %parallel_loop3A_202 = arith.addi %parallel_loop3A_126, %parallel_loop3A_201 : i32
      %parallel_loop3A_203 = arith.index_cast %parallel_loop3A_202 : i32 to index
      %parallel_loop3A_204 = tpu.vector_load %arg5[%parallel_loop3A_203] {strides = array<i32>} : memref<8448xf32, #tpu.memory_space<vmem>>, vector<16xf32>,
      %parallel_loop3A_205 = vector.shape_cast %parallel_loop3A_204 : vector<16xf32> to vector<16xf32>
      %parallel_loop3A_206 = arith.constant 80 : i32
      %parallel_loop3A_207 = arith.addi %parallel_loop3A_128, %parallel_loop3A_206 : i32
      %parallel_loop3A_208 = arith.index_cast %parallel_loop3A_207 : i32 to index
      %parallel_loop3A_209 = tpu.vector_load %arg5[%parallel_loop3A_208] {strides = array<i32>} : memref<8448xf32, #tpu.memory_space<vmem>>, vector<16xf32>,
      %parallel_loop3A_210 = vector.shape_cast %parallel_loop3A_209 : vector<16xf32> to vector<16xf32>
      %parallel_loop3A_211 = arith.constant 80 : i32
      %parallel_loop3A_212 = arith.addi %parallel_loop3A_130, %parallel_loop3A_211 : i32
      %parallel_loop3A_213 = arith.index_cast %parallel_loop3A_212 : i32 to index
      %parallel_loop3A_214 = tpu.vector_load %arg5[%parallel_loop3A_213] {strides = array<i32>} : memref<8448xf32, #tpu.memory_space<vmem>>, vector<16xf32>,
      %parallel_loop3A_215 = vector.shape_cast %parallel_loop3A_214 : vector<16xf32> to vector<16xf32>
      %parallel_loop3A_216 = arith.constant 80 : i32
      %parallel_loop3A_217 = arith.addi %parallel_loop3A_132, %parallel_loop3A_216 : i32
      %parallel_loop3A_218 = arith.index_cast %parallel_loop3A_217 : i32 to index
      %parallel_loop3A_219 = tpu.vector_load %arg5[%parallel_loop3A_218] {strides = array<i32>} : memref<8448xf32, #tpu.memory_space<vmem>>, vector<16xf32>,
      %parallel_loop3A_220 = vector.shape_cast %parallel_loop3A_219 : vector<16xf32> to vector<16xf32>
      %parallel_loop3A_221 = arith.constant 80 : i32
      %parallel_loop3A_222 = arith.addi %parallel_loop3A_134, %parallel_loop3A_221 : i32
      %parallel_loop3A_223 = arith.index_cast %parallel_loop3A_222 : i32 to index
      %parallel_loop3A_224 = tpu.vector_load %arg5[%parallel_loop3A_223] {strides = array<i32>} : memref<8448xf32, #tpu.memory_space<vmem>>, vector<16xf32>,
      %parallel_loop3A_225 = vector.shape_cast %parallel_loop3A_224 : vector<16xf32> to vector<16xf32>
      %parallel_loop3A_226 = arith.constant 80 : i32
      %parallel_loop3A_227 = arith.addi %parallel_loop3A_136, %parallel_loop3A_226 : i32
      %parallel_loop3A_228 = arith.index_cast %parallel_loop3A_227 : i32 to index
      %parallel_loop3A_229 = tpu.vector_load %arg5[%parallel_loop3A_228] {strides = array<i32>} : memref<8448xf32, #tpu.memory_space<vmem>>, vector<16xf32>,
      %parallel_loop3A_230 = vector.shape_cast %parallel_loop3A_229 : vector<16xf32> to vector<16xf32>
      %parallel_loop3A_231 = arith.constant 80 : i32
      %parallel_loop3A_232 = arith.addi %parallel_loop3A_138, %parallel_loop3A_231 : i32
      %parallel_loop3A_233 = arith.index_cast %parallel_loop3A_232 : i32 to index
      %parallel_loop3A_234 = tpu.vector_load %arg5[%parallel_loop3A_233] {strides = array<i32>} : memref<8448xf32, #tpu.memory_space<vmem>>, vector<16xf32>,
      %parallel_loop3A_235 = vector.shape_cast %parallel_loop3A_234 : vector<16xf32> to vector<16xf32>
      %parallel_loop3A_236 = arith.constant 80 : i32
      %parallel_loop3A_237 = arith.addi %parallel_loop3A_140, %parallel_loop3A_236 : i32
      %parallel_loop3A_238 = arith.index_cast %parallel_loop3A_237 : i32 to index
      %parallel_loop3A_239 = tpu.vector_load %arg5[%parallel_loop3A_238] {strides = array<i32>} : memref<8448xf32, #tpu.memory_space<vmem>>, vector<16xf32>,
      %parallel_loop3A_240 = vector.shape_cast %parallel_loop3A_239 : vector<16xf32> to vector<16xf32>
      %parallel_loop3A_241 = arith.constant 80 : i32
      %parallel_loop3A_242 = arith.addi %parallel_loop3A_142, %parallel_loop3A_241 : i32
      %parallel_loop3A_243 = arith.index_cast %parallel_loop3A_242 : i32 to index
      %parallel_loop3A_244 = tpu.vector_load %arg5[%parallel_loop3A_243] {strides = array<i32>} : memref<8448xf32, #tpu.memory_space<vmem>>, vector<16xf32>,
      %parallel_loop3A_245 = vector.shape_cast %parallel_loop3A_244 : vector<16xf32> to vector<16xf32>
      %parallel_loop3A_246 = arith.addf %parallel_loop3A_205, %parallel_loop3A_210 : vector<16xf32>
      %parallel_loop3A_247 = arith.addf %parallel_loop3A_215, %parallel_loop3A_220 : vector<16xf32>
      %parallel_loop3A_248 = arith.addf %parallel_loop3A_246, %parallel_loop3A_247 : vector<16xf32>
      %parallel_loop3A_249 = arith.addf %parallel_loop3A_225, %parallel_loop3A_230 : vector<16xf32>
      %parallel_loop3A_250 = arith.addf %parallel_loop3A_235, %parallel_loop3A_240 : vector<16xf32>
      %parallel_loop3A_251 = arith.addf %parallel_loop3A_249, %parallel_loop3A_250 : vector<16xf32>
      %parallel_loop3A_252 = arith.addf %parallel_loop3A_248, %parallel_loop3A_251 : vector<16xf32>
      %parallel_loop3A_253 = arith.addf %parallel_loop3A_252, %parallel_loop3A_245 : vector<16xf32>
      %parallel_loop3A_254 = arith.index_cast %parallel_loop3A_124 : i32 to index
      %parallel_loop3A_255 = arith.constant 16 : index
      %parallel_loop3A_256 = tpu.vector_load %arg7[%parallel_loop3A_254, %parallel_loop3A_255] {strides = array<i32>} : memref<256x64xf32, #tpu.memory_space<vmem>>, vector<1x16xf32>,
      %parallel_loop3A_257 = vector.shape_cast %parallel_loop3A_256 : vector<1x16xf32> to vector<16xf32>
      %parallel_loop3A_258 = vector.shape_cast %parallel_loop3A_253 : vector<16xf32> to vector<1x16xf32>
      tpu.vector_store %arg7[%parallel_loop3A_254, %parallel_loop3A_255], %parallel_loop3A_258 {strides = array<i32>} : memref<256x64xf32, #tpu.memory_space<vmem>>, vector<1x16xf32>,
      %parallel_loop3A_259 = arith.constant 32 : i32
      %parallel_loop3A_260 = arith.addi %parallel_loop3A_126, %parallel_loop3A_259 : i32
      %parallel_loop3A_261 = arith.index_cast %parallel_loop3A_260 : i32 to index
      %parallel_loop3A_262 = tpu.vector_load %arg5[%parallel_loop3A_261] {strides = array<i32>} : memref<8448xf32, #tpu.memory_space<vmem>>, vector<16xf32>,
      %parallel_loop3A_263 = vector.shape_cast %parallel_loop3A_262 : vector<16xf32> to vector<16xf32>
      %parallel_loop3A_264 = arith.constant 96 : i32
      %parallel_loop3A_265 = arith.addi %parallel_loop3A_128, %parallel_loop3A_264 : i32
      %parallel_loop3A_266 = arith.index_cast %parallel_loop3A_265 : i32 to index
      %parallel_loop3A_267 = tpu.vector_load %arg5[%parallel_loop3A_266] {strides = array<i32>} : memref<8448xf32, #tpu.memory_space<vmem>>, vector<16xf32>,
      %parallel_loop3A_268 = vector.shape_cast %parallel_loop3A_267 : vector<16xf32> to vector<16xf32>
      %parallel_loop3A_269 = arith.constant 96 : i32
      %parallel_loop3A_270 = arith.addi %parallel_loop3A_130, %parallel_loop3A_269 : i32
      %parallel_loop3A_271 = arith.index_cast %parallel_loop3A_270 : i32 to index
      %parallel_loop3A_272 = tpu.vector_load %arg5[%parallel_loop3A_271] {strides = array<i32>} : memref<8448xf32, #tpu.memory_space<vmem>>, vector<16xf32>,
      %parallel_loop3A_273 = vector.shape_cast %parallel_loop3A_272 : vector<16xf32> to vector<16xf32>
      %parallel_loop3A_274 = arith.constant 96 : i32
      %parallel_loop3A_275 = arith.addi %parallel_loop3A_132, %parallel_loop3A_274 : i32
      %parallel_loop3A_276 = arith.index_cast %parallel_loop3A_275 : i32 to index
      %parallel_loop3A_277 = tpu.vector_load %arg5[%parallel_loop3A_276] {strides = array<i32>} : memref<8448xf32, #tpu.memory_space<vmem>>, vector<16xf32>,
      %parallel_loop3A_278 = vector.shape_cast %parallel_loop3A_277 : vector<16xf32> to vector<16xf32>
      %parallel_loop3A_279 = arith.constant 96 : i32
      %parallel_loop3A_280 = arith.addi %parallel_loop3A_134, %parallel_loop3A_279 : i32
      %parallel_loop3A_281 = arith.index_cast %parallel_loop3A_280 : i32 to index
      %parallel_loop3A_282 = tpu.vector_load %arg5[%parallel_loop3A_281] {strides = array<i32>} : memref<8448xf32, #tpu.memory_space<vmem>>, vector<16xf32>,
      %parallel_loop3A_283 = vector.shape_cast %parallel_loop3A_282 : vector<16xf32> to vector<16xf32>
      %parallel_loop3A_284 = arith.constant 96 : i32
      %parallel_loop3A_285 = arith.addi %parallel_loop3A_136, %parallel_loop3A_284 : i32
      %parallel_loop3A_286 = arith.index_cast %parallel_loop3A_285 : i32 to index
      %parallel_loop3A_287 = tpu.vector_load %arg5[%parallel_loop3A_286] {strides = array<i32>} : memref<8448xf32, #tpu.memory_space<vmem>>, vector<16xf32>,
      %parallel_loop3A_288 = vector.shape_cast %parallel_loop3A_287 : vector<16xf32> to vector<16xf32>
      %parallel_loop3A_289 = arith.constant 96 : i32
      %parallel_loop3A_290 = arith.addi %parallel_loop3A_138, %parallel_loop3A_289 : i32
      %parallel_loop3A_291 = arith.index_cast %parallel_loop3A_290 : i32 to index
      %parallel_loop3A_292 = tpu.vector_load %arg5[%parallel_loop3A_291] {strides = array<i32>} : memref<8448xf32, #tpu.memory_space<vmem>>, vector<16xf32>,
      %parallel_loop3A_293 = vector.shape_cast %parallel_loop3A_292 : vector<16xf32> to vector<16xf32>
      %parallel_loop3A_294 = arith.constant 96 : i32
      %parallel_loop3A_295 = arith.addi %parallel_loop3A_140, %parallel_loop3A_294 : i32
      %parallel_loop3A_296 = arith.index_cast %parallel_loop3A_295 : i32 to index
      %parallel_loop3A_297 = tpu.vector_load %arg5[%parallel_loop3A_296] {strides = array<i32>} : memref<8448xf32, #tpu.memory_space<vmem>>, vector<16xf32>,
      %parallel_loop3A_298 = vector.shape_cast %parallel_loop3A_297 : vector<16xf32> to vector<16xf32>
      %parallel_loop3A_299 = arith.constant 96 : i32
      %parallel_loop3A_300 = arith.addi %parallel_loop3A_142, %parallel_loop3A_299 : i32
      %parallel_loop3A_301 = arith.index_cast %parallel_loop3A_300 : i32 to index
      %parallel_loop3A_302 = tpu.vector_load %arg5[%parallel_loop3A_301] {strides = array<i32>} : memref<8448xf32, #tpu.memory_space<vmem>>, vector<16xf32>,
      %parallel_loop3A_303 = vector.shape_cast %parallel_loop3A_302 : vector<16xf32> to vector<16xf32>
      %parallel_loop3A_304 = arith.addf %parallel_loop3A_263, %parallel_loop3A_268 : vector<16xf32>
      %parallel_loop3A_305 = arith.addf %parallel_loop3A_273, %parallel_loop3A_278 : vector<16xf32>
      %parallel_loop3A_306 = arith.addf %parallel_loop3A_304, %parallel_loop3A_305 : vector<16xf32>
      %parallel_loop3A_307 = arith.addf %parallel_loop3A_283, %parallel_loop3A_288 : vector<16xf32>
      %parallel_loop3A_308 = arith.addf %parallel_loop3A_293, %parallel_loop3A_298 : vector<16xf32>
      %parallel_loop3A_309 = arith.addf %parallel_loop3A_307, %parallel_loop3A_308 : vector<16xf32>
      %parallel_loop3A_310 = arith.addf %parallel_loop3A_306, %parallel_loop3A_309 : vector<16xf32>
      %parallel_loop3A_311 = arith.addf %parallel_loop3A_310, %parallel_loop3A_303 : vector<16xf32>
      %parallel_loop3A_312 = arith.index_cast %parallel_loop3A_124 : i32 to index
      %parallel_loop3A_313 = arith.constant 32 : index
      %parallel_loop3A_314 = tpu.vector_load %arg7[%parallel_loop3A_312, %parallel_loop3A_313] {strides = array<i32>} : memref<256x64xf32, #tpu.memory_space<vmem>>, vector<1x16xf32>,
      %parallel_loop3A_315 = vector.shape_cast %parallel_loop3A_314 : vector<1x16xf32> to vector<16xf32>
      %parallel_loop3A_316 = vector.shape_cast %parallel_loop3A_311 : vector<16xf32> to vector<1x16xf32>
      tpu.vector_store %arg7[%parallel_loop3A_312, %parallel_loop3A_313], %parallel_loop3A_316 {strides = array<i32>} : memref<256x64xf32, #tpu.memory_space<vmem>>, vector<1x16xf32>,
      %parallel_loop3A_317 = arith.constant 48 : i32
      %parallel_loop3A_318 = arith.addi %parallel_loop3A_126, %parallel_loop3A_317 : i32
      %parallel_loop3A_319 = arith.index_cast %parallel_loop3A_318 : i32 to index
      %parallel_loop3A_320 = tpu.vector_load %arg5[%parallel_loop3A_319] {strides = array<i32>} : memref<8448xf32, #tpu.memory_space<vmem>>, vector<16xf32>,
      %parallel_loop3A_321 = vector.shape_cast %parallel_loop3A_320 : vector<16xf32> to vector<16xf32>
      %parallel_loop3A_322 = arith.constant 112 : i32
      %parallel_loop3A_323 = arith.addi %parallel_loop3A_128, %parallel_loop3A_322 : i32
      %parallel_loop3A_324 = arith.index_cast %parallel_loop3A_323 : i32 to index
      %parallel_loop3A_325 = tpu.vector_load %arg5[%parallel_loop3A_324] {strides = array<i32>} : memref<8448xf32, #tpu.memory_space<vmem>>, vector<16xf32>,
      %parallel_loop3A_326 = vector.shape_cast %parallel_loop3A_325 : vector<16xf32> to vector<16xf32>
      %parallel_loop3A_327 = arith.constant 112 : i32
      %parallel_loop3A_328 = arith.addi %parallel_loop3A_130, %parallel_loop3A_327 : i32
      %parallel_loop3A_329 = arith.index_cast %parallel_loop3A_328 : i32 to index
      %parallel_loop3A_330 = tpu.vector_load %arg5[%parallel_loop3A_329] {strides = array<i32>} : memref<8448xf32, #tpu.memory_space<vmem>>, vector<16xf32>,
      %parallel_loop3A_331 = vector.shape_cast %parallel_loop3A_330 : vector<16xf32> to vector<16xf32>
      %parallel_loop3A_332 = arith.constant 112 : i32
      %parallel_loop3A_333 = arith.addi %parallel_loop3A_132, %parallel_loop3A_332 : i32
      %parallel_loop3A_334 = arith.index_cast %parallel_loop3A_333 : i32 to index
      %parallel_loop3A_335 = tpu.vector_load %arg5[%parallel_loop3A_334] {strides = array<i32>} : memref<8448xf32, #tpu.memory_space<vmem>>, vector<16xf32>,
      %parallel_loop3A_336 = vector.shape_cast %parallel_loop3A_335 : vector<16xf32> to vector<16xf32>
      %parallel_loop3A_337 = arith.constant 112 : i32
      %parallel_loop3A_338 = arith.addi %parallel_loop3A_134, %parallel_loop3A_337 : i32
      %parallel_loop3A_339 = arith.index_cast %parallel_loop3A_338 : i32 to index
      %parallel_loop3A_340 = tpu.vector_load %arg5[%parallel_loop3A_339] {strides = array<i32>} : memref<8448xf32, #tpu.memory_space<vmem>>, vector<16xf32>,
      %parallel_loop3A_341 = vector.shape_cast %parallel_loop3A_340 : vector<16xf32> to vector<16xf32>
      %parallel_loop3A_342 = arith.constant 112 : i32
      %parallel_loop3A_343 = arith.addi %parallel_loop3A_136, %parallel_loop3A_342 : i32
      %parallel_loop3A_344 = arith.index_cast %parallel_loop3A_343 : i32 to index
      %parallel_loop3A_345 = tpu.vector_load %arg5[%parallel_loop3A_344] {strides = array<i32>} : memref<8448xf32, #tpu.memory_space<vmem>>, vector<16xf32>,
      %parallel_loop3A_346 = vector.shape_cast %parallel_loop3A_345 : vector<16xf32> to vector<16xf32>
      %parallel_loop3A_347 = arith.constant 112 : i32
      %parallel_loop3A_348 = arith.addi %parallel_loop3A_138, %parallel_loop3A_347 : i32
      %parallel_loop3A_349 = arith.index_cast %parallel_loop3A_348 : i32 to index
      %parallel_loop3A_350 = tpu.vector_load %arg5[%parallel_loop3A_349] {strides = array<i32>} : memref<8448xf32, #tpu.memory_space<vmem>>, vector<16xf32>,
      %parallel_loop3A_351 = vector.shape_cast %parallel_loop3A_350 : vector<16xf32> to vector<16xf32>
      %parallel_loop3A_352 = arith.constant 112 : i32
      %parallel_loop3A_353 = arith.addi %parallel_loop3A_140, %parallel_loop3A_352 : i32
      %parallel_loop3A_354 = arith.index_cast %parallel_loop3A_353 : i32 to index
      %parallel_loop3A_355 = tpu.vector_load %arg5[%parallel_loop3A_354] {strides = array<i32>} : memref<8448xf32, #tpu.memory_space<vmem>>, vector<16xf32>,
      %parallel_loop3A_356 = vector.shape_cast %parallel_loop3A_355 : vector<16xf32> to vector<16xf32>
      %parallel_loop3A_357 = arith.constant 112 : i32
      %parallel_loop3A_358 = arith.addi %parallel_loop3A_142, %parallel_loop3A_357 : i32
      %parallel_loop3A_359 = arith.index_cast %parallel_loop3A_358 : i32 to index
      %parallel_loop3A_360 = tpu.vector_load %arg5[%parallel_loop3A_359] {strides = array<i32>} : memref<8448xf32, #tpu.memory_space<vmem>>, vector<16xf32>,
      %parallel_loop3A_361 = vector.shape_cast %parallel_loop3A_360 : vector<16xf32> to vector<16xf32>
      %parallel_loop3A_362 = arith.addf %parallel_loop3A_321, %parallel_loop3A_326 : vector<16xf32>
      %parallel_loop3A_363 = arith.addf %parallel_loop3A_331, %parallel_loop3A_336 : vector<16xf32>
      %parallel_loop3A_364 = arith.addf %parallel_loop3A_362, %parallel_loop3A_363 : vector<16xf32>
      %parallel_loop3A_365 = arith.addf %parallel_loop3A_341, %parallel_loop3A_346 : vector<16xf32>
      %parallel_loop3A_366 = arith.addf %parallel_loop3A_351, %parallel_loop3A_356 : vector<16xf32>
      %parallel_loop3A_367 = arith.addf %parallel_loop3A_365, %parallel_loop3A_366 : vector<16xf32>
      %parallel_loop3A_368 = arith.addf %parallel_loop3A_364, %parallel_loop3A_367 : vector<16xf32>
      %parallel_loop3A_369 = arith.addf %parallel_loop3A_368, %parallel_loop3A_361 : vector<16xf32>
      %parallel_loop3A_370 = arith.index_cast %parallel_loop3A_124 : i32 to index
      %parallel_loop3A_371 = arith.constant 48 : index
      %parallel_loop3A_372 = tpu.vector_load %arg7[%parallel_loop3A_370, %parallel_loop3A_371] {strides = array<i32>} : memref<256x64xf32, #tpu.memory_space<vmem>>, vector<1x16xf32>,
      %parallel_loop3A_373 = vector.shape_cast %parallel_loop3A_372 : vector<1x16xf32> to vector<16xf32>
      %parallel_loop3A_374 = vector.shape_cast %parallel_loop3A_369 : vector<16xf32> to vector<1x16xf32>
      tpu.vector_store %arg7[%parallel_loop3A_370, %parallel_loop3A_371], %parallel_loop3A_374 {strides = array<i32>} : memref<256x64xf32, #tpu.memory_space<vmem>>, vector<1x16xf32>,
      %parallel_loop3A_375 = arith.constant 2 : i32
      %parallel_loop3A_376 = arith.muli %parallel_loop3A_375, %parallel_loop3A_22 : i32
      %parallel_loop3A_377 = arith.constant 1 : i32
      %parallel_loop3A_378 = arith.addi %parallel_loop3A_376, %parallel_loop3A_377 : i32
      %parallel_loop3A_379 = vector.extract_strided_slice %parallel_loop3A_122 {offsets = [0], sizes = [1], strides = [1]} : vector<16xi32> to vector<1xi32>
      %parallel_loop3A_380 = vector.extract %parallel_loop3A_379[0] : i32 from vector<1xi32>
      %parallel_loop3A_381 = vector.extract_strided_slice %parallel_loop3A_122 {offsets = [1], sizes = [1], strides = [1]} : vector<16xi32> to vector<1xi32>
      %parallel_loop3A_382 = vector.extract %parallel_loop3A_381[0] : i32 from vector<1xi32>
      %parallel_loop3A_383 = vector.extract_strided_slice %parallel_loop3A_122 {offsets = [2], sizes = [1], strides = [1]} : vector<16xi32> to vector<1xi32>
      %parallel_loop3A_384 = vector.extract %parallel_loop3A_383[0] : i32 from vector<1xi32>
      %parallel_loop3A_385 = vector.extract_strided_slice %parallel_loop3A_122 {offsets = [3], sizes = [1], strides = [1]} : vector<16xi32> to vector<1xi32>
      %parallel_loop3A_386 = vector.extract %parallel_loop3A_385[0] : i32 from vector<1xi32>
      %parallel_loop3A_387 = vector.extract_strided_slice %parallel_loop3A_122 {offsets = [4], sizes = [1], strides = [1]} : vector<16xi32> to vector<1xi32>
      %parallel_loop3A_388 = vector.extract %parallel_loop3A_387[0] : i32 from vector<1xi32>
      %parallel_loop3A_389 = vector.extract_strided_slice %parallel_loop3A_122 {offsets = [5], sizes = [1], strides = [1]} : vector<16xi32> to vector<1xi32>
      %parallel_loop3A_390 = vector.extract %parallel_loop3A_389[0] : i32 from vector<1xi32>
      %parallel_loop3A_391 = vector.extract_strided_slice %parallel_loop3A_122 {offsets = [6], sizes = [1], strides = [1]} : vector<16xi32> to vector<1xi32>
      %parallel_loop3A_392 = vector.extract %parallel_loop3A_391[0] : i32 from vector<1xi32>
      %parallel_loop3A_393 = vector.extract_strided_slice %parallel_loop3A_122 {offsets = [7], sizes = [1], strides = [1]} : vector<16xi32> to vector<1xi32>
      %parallel_loop3A_394 = vector.extract %parallel_loop3A_393[0] : i32 from vector<1xi32>
      %parallel_loop3A_395 = vector.extract_strided_slice %parallel_loop3A_122 {offsets = [8], sizes = [1], strides = [1]} : vector<16xi32> to vector<1xi32>
      %parallel_loop3A_396 = vector.extract %parallel_loop3A_395[0] : i32 from vector<1xi32>
      %parallel_loop3A_397 = arith.constant 0 : i32
      %parallel_loop3A_398 = arith.addi %parallel_loop3A_380, %parallel_loop3A_397 : i32
      %parallel_loop3A_399 = arith.index_cast %parallel_loop3A_398 : i32 to index
      %parallel_loop3A_400 = tpu.vector_load %arg5[%parallel_loop3A_399] {strides = array<i32>} : memref<8448xf32, #tpu.memory_space<vmem>>, vector<16xf32>,
      %parallel_loop3A_401 = vector.shape_cast %parallel_loop3A_400 : vector<16xf32> to vector<16xf32>
      %parallel_loop3A_402 = arith.constant 64 : i32
      %parallel_loop3A_403 = arith.addi %parallel_loop3A_382, %parallel_loop3A_402 : i32
      %parallel_loop3A_404 = arith.index_cast %parallel_loop3A_403 : i32 to index
      %parallel_loop3A_405 = tpu.vector_load %arg5[%parallel_loop3A_404] {strides = array<i32>} : memref<8448xf32, #tpu.memory_space<vmem>>, vector<16xf32>,
      %parallel_loop3A_406 = vector.shape_cast %parallel_loop3A_405 : vector<16xf32> to vector<16xf32>
      %parallel_loop3A_407 = arith.constant 64 : i32
      %parallel_loop3A_408 = arith.addi %parallel_loop3A_384, %parallel_loop3A_407 : i32
      %parallel_loop3A_409 = arith.index_cast %parallel_loop3A_408 : i32 to index
      %parallel_loop3A_410 = tpu.vector_load %arg5[%parallel_loop3A_409] {strides = array<i32>} : memref<8448xf32, #tpu.memory_space<vmem>>, vector<16xf32>,
      %parallel_loop3A_411 = vector.shape_cast %parallel_loop3A_410 : vector<16xf32> to vector<16xf32>
      %parallel_loop3A_412 = arith.constant 64 : i32
      %parallel_loop3A_413 = arith.addi %parallel_loop3A_386, %parallel_loop3A_412 : i32
      %parallel_loop3A_414 = arith.index_cast %parallel_loop3A_413 : i32 to index
      %parallel_loop3A_415 = tpu.vector_load %arg5[%parallel_loop3A_414] {strides = array<i32>} : memref<8448xf32, #tpu.memory_space<vmem>>, vector<16xf32>,
      %parallel_loop3A_416 = vector.shape_cast %parallel_loop3A_415 : vector<16xf32> to vector<16xf32>
      %parallel_loop3A_417 = arith.constant 64 : i32
      %parallel_loop3A_418 = arith.addi %parallel_loop3A_388, %parallel_loop3A_417 : i32
      %parallel_loop3A_419 = arith.index_cast %parallel_loop3A_418 : i32 to index
      %parallel_loop3A_420 = tpu.vector_load %arg5[%parallel_loop3A_419] {strides = array<i32>} : memref<8448xf32, #tpu.memory_space<vmem>>, vector<16xf32>,
      %parallel_loop3A_421 = vector.shape_cast %parallel_loop3A_420 : vector<16xf32> to vector<16xf32>
      %parallel_loop3A_422 = arith.constant 64 : i32
      %parallel_loop3A_423 = arith.addi %parallel_loop3A_390, %parallel_loop3A_422 : i32
      %parallel_loop3A_424 = arith.index_cast %parallel_loop3A_423 : i32 to index
      %parallel_loop3A_425 = tpu.vector_load %arg5[%parallel_loop3A_424] {strides = array<i32>} : memref<8448xf32, #tpu.memory_space<vmem>>, vector<16xf32>,
      %parallel_loop3A_426 = vector.shape_cast %parallel_loop3A_425 : vector<16xf32> to vector<16xf32>
      %parallel_loop3A_427 = arith.constant 64 : i32
      %parallel_loop3A_428 = arith.addi %parallel_loop3A_392, %parallel_loop3A_427 : i32
      %parallel_loop3A_429 = arith.index_cast %parallel_loop3A_428 : i32 to index
      %parallel_loop3A_430 = tpu.vector_load %arg5[%parallel_loop3A_429] {strides = array<i32>} : memref<8448xf32, #tpu.memory_space<vmem>>, vector<16xf32>,
      %parallel_loop3A_431 = vector.shape_cast %parallel_loop3A_430 : vector<16xf32> to vector<16xf32>
      %parallel_loop3A_432 = arith.constant 64 : i32
      %parallel_loop3A_433 = arith.addi %parallel_loop3A_394, %parallel_loop3A_432 : i32
      %parallel_loop3A_434 = arith.index_cast %parallel_loop3A_433 : i32 to index
      %parallel_loop3A_435 = tpu.vector_load %arg5[%parallel_loop3A_434] {strides = array<i32>} : memref<8448xf32, #tpu.memory_space<vmem>>, vector<16xf32>,
      %parallel_loop3A_436 = vector.shape_cast %parallel_loop3A_435 : vector<16xf32> to vector<16xf32>
      %parallel_loop3A_437 = arith.constant 64 : i32
      %parallel_loop3A_438 = arith.addi %parallel_loop3A_396, %parallel_loop3A_437 : i32
      %parallel_loop3A_439 = arith.index_cast %parallel_loop3A_438 : i32 to index
      %parallel_loop3A_440 = tpu.vector_load %arg5[%parallel_loop3A_439] {strides = array<i32>} : memref<8448xf32, #tpu.memory_space<vmem>>, vector<16xf32>,
      %parallel_loop3A_441 = vector.shape_cast %parallel_loop3A_440 : vector<16xf32> to vector<16xf32>
      %parallel_loop3A_442 = arith.addf %parallel_loop3A_401, %parallel_loop3A_406 : vector<16xf32>
      %parallel_loop3A_443 = arith.addf %parallel_loop3A_411, %parallel_loop3A_416 : vector<16xf32>
      %parallel_loop3A_444 = arith.addf %parallel_loop3A_442, %parallel_loop3A_443 : vector<16xf32>
      %parallel_loop3A_445 = arith.addf %parallel_loop3A_421, %parallel_loop3A_426 : vector<16xf32>
      %parallel_loop3A_446 = arith.addf %parallel_loop3A_431, %parallel_loop3A_436 : vector<16xf32>
      %parallel_loop3A_447 = arith.addf %parallel_loop3A_445, %parallel_loop3A_446 : vector<16xf32>
      %parallel_loop3A_448 = arith.addf %parallel_loop3A_444, %parallel_loop3A_447 : vector<16xf32>
      %parallel_loop3A_449 = arith.addf %parallel_loop3A_448, %parallel_loop3A_441 : vector<16xf32>
      %parallel_loop3A_450 = arith.index_cast %parallel_loop3A_378 : i32 to index
      %parallel_loop3A_451 = arith.constant 0 : index
      %parallel_loop3A_452 = tpu.vector_load %arg7[%parallel_loop3A_450, %parallel_loop3A_451] {strides = array<i32>} : memref<256x64xf32, #tpu.memory_space<vmem>>, vector<1x16xf32>,
      %parallel_loop3A_453 = vector.shape_cast %parallel_loop3A_452 : vector<1x16xf32> to vector<16xf32>
      %parallel_loop3A_454 = vector.shape_cast %parallel_loop3A_449 : vector<16xf32> to vector<1x16xf32>
      tpu.vector_store %arg7[%parallel_loop3A_450, %parallel_loop3A_451], %parallel_loop3A_454 {strides = array<i32>} : memref<256x64xf32, #tpu.memory_space<vmem>>, vector<1x16xf32>,
      %parallel_loop3A_455 = arith.constant 16 : i32
      %parallel_loop3A_456 = arith.addi %parallel_loop3A_380, %parallel_loop3A_455 : i32
      %parallel_loop3A_457 = arith.index_cast %parallel_loop3A_456 : i32 to index
      %parallel_loop3A_458 = tpu.vector_load %arg5[%parallel_loop3A_457] {strides = array<i32>} : memref<8448xf32, #tpu.memory_space<vmem>>, vector<16xf32>,
      %parallel_loop3A_459 = vector.shape_cast %parallel_loop3A_458 : vector<16xf32> to vector<16xf32>
      %parallel_loop3A_460 = arith.constant 80 : i32
      %parallel_loop3A_461 = arith.addi %parallel_loop3A_382, %parallel_loop3A_460 : i32
      %parallel_loop3A_462 = arith.index_cast %parallel_loop3A_461 : i32 to index
      %parallel_loop3A_463 = tpu.vector_load %arg5[%parallel_loop3A_462] {strides = array<i32>} : memref<8448xf32, #tpu.memory_space<vmem>>, vector<16xf32>,
      %parallel_loop3A_464 = vector.shape_cast %parallel_loop3A_463 : vector<16xf32> to vector<16xf32>
      %parallel_loop3A_465 = arith.constant 80 : i32
      %parallel_loop3A_466 = arith.addi %parallel_loop3A_384, %parallel_loop3A_465 : i32
      %parallel_loop3A_467 = arith.index_cast %parallel_loop3A_466 : i32 to index
      %parallel_loop3A_468 = tpu.vector_load %arg5[%parallel_loop3A_467] {strides = array<i32>} : memref<8448xf32, #tpu.memory_space<vmem>>, vector<16xf32>,
      %parallel_loop3A_469 = vector.shape_cast %parallel_loop3A_468 : vector<16xf32> to vector<16xf32>
      %parallel_loop3A_470 = arith.constant 80 : i32
      %parallel_loop3A_471 = arith.addi %parallel_loop3A_386, %parallel_loop3A_470 : i32
      %parallel_loop3A_472 = arith.index_cast %parallel_loop3A_471 : i32 to index
      %parallel_loop3A_473 = tpu.vector_load %arg5[%parallel_loop3A_472] {strides = array<i32>} : memref<8448xf32, #tpu.memory_space<vmem>>, vector<16xf32>,
      %parallel_loop3A_474 = vector.shape_cast %parallel_loop3A_473 : vector<16xf32> to vector<16xf32>
      %parallel_loop3A_475 = arith.constant 80 : i32
      %parallel_loop3A_476 = arith.addi %parallel_loop3A_388, %parallel_loop3A_475 : i32
      %parallel_loop3A_477 = arith.index_cast %parallel_loop3A_476 : i32 to index
      %parallel_loop3A_478 = tpu.vector_load %arg5[%parallel_loop3A_477] {strides = array<i32>} : memref<8448xf32, #tpu.memory_space<vmem>>, vector<16xf32>,
      %parallel_loop3A_479 = vector.shape_cast %parallel_loop3A_478 : vector<16xf32> to vector<16xf32>
      %parallel_loop3A_480 = arith.constant 80 : i32
      %parallel_loop3A_481 = arith.addi %parallel_loop3A_390, %parallel_loop3A_480 : i32
      %parallel_loop3A_482 = arith.index_cast %parallel_loop3A_481 : i32 to index
      %parallel_loop3A_483 = tpu.vector_load %arg5[%parallel_loop3A_482] {strides = array<i32>} : memref<8448xf32, #tpu.memory_space<vmem>>, vector<16xf32>,
      %parallel_loop3A_484 = vector.shape_cast %parallel_loop3A_483 : vector<16xf32> to vector<16xf32>
      %parallel_loop3A_485 = arith.constant 80 : i32
      %parallel_loop3A_486 = arith.addi %parallel_loop3A_392, %parallel_loop3A_485 : i32
      %parallel_loop3A_487 = arith.index_cast %parallel_loop3A_486 : i32 to index
      %parallel_loop3A_488 = tpu.vector_load %arg5[%parallel_loop3A_487] {strides = array<i32>} : memref<8448xf32, #tpu.memory_space<vmem>>, vector<16xf32>,
      %parallel_loop3A_489 = vector.shape_cast %parallel_loop3A_488 : vector<16xf32> to vector<16xf32>
      %parallel_loop3A_490 = arith.constant 80 : i32
      %parallel_loop3A_491 = arith.addi %parallel_loop3A_394, %parallel_loop3A_490 : i32
      %parallel_loop3A_492 = arith.index_cast %parallel_loop3A_491 : i32 to index
      %parallel_loop3A_493 = tpu.vector_load %arg5[%parallel_loop3A_492] {strides = array<i32>} : memref<8448xf32, #tpu.memory_space<vmem>>, vector<16xf32>,
      %parallel_loop3A_494 = vector.shape_cast %parallel_loop3A_493 : vector<16xf32> to vector<16xf32>
      %parallel_loop3A_495 = arith.constant 80 : i32
      %parallel_loop3A_496 = arith.addi %parallel_loop3A_396, %parallel_loop3A_495 : i32
      %parallel_loop3A_497 = arith.index_cast %parallel_loop3A_496 : i32 to index
      %parallel_loop3A_498 = tpu.vector_load %arg5[%parallel_loop3A_497] {strides = array<i32>} : memref<8448xf32, #tpu.memory_space<vmem>>, vector<16xf32>,
      %parallel_loop3A_499 = vector.shape_cast %parallel_loop3A_498 : vector<16xf32> to vector<16xf32>
      %parallel_loop3A_500 = arith.addf %parallel_loop3A_459, %parallel_loop3A_464 : vector<16xf32>
      %parallel_loop3A_501 = arith.addf %parallel_loop3A_469, %parallel_loop3A_474 : vector<16xf32>
      %parallel_loop3A_502 = arith.addf %parallel_loop3A_500, %parallel_loop3A_501 : vector<16xf32>
      %parallel_loop3A_503 = arith.addf %parallel_loop3A_479, %parallel_loop3A_484 : vector<16xf32>
      %parallel_loop3A_504 = arith.addf %parallel_loop3A_489, %parallel_loop3A_494 : vector<16xf32>
      %parallel_loop3A_505 = arith.addf %parallel_loop3A_503, %parallel_loop3A_504 : vector<16xf32>
      %parallel_loop3A_506 = arith.addf %parallel_loop3A_502, %parallel_loop3A_505 : vector<16xf32>
      %parallel_loop3A_507 = arith.addf %parallel_loop3A_506, %parallel_loop3A_499 : vector<16xf32>
      %parallel_loop3A_508 = arith.index_cast %parallel_loop3A_378 : i32 to index
      %parallel_loop3A_509 = arith.constant 16 : index
      %parallel_loop3A_510 = tpu.vector_load %arg7[%parallel_loop3A_508, %parallel_loop3A_509] {strides = array<i32>} : memref<256x64xf32, #tpu.memory_space<vmem>>, vector<1x16xf32>,
      %parallel_loop3A_511 = vector.shape_cast %parallel_loop3A_510 : vector<1x16xf32> to vector<16xf32>
      %parallel_loop3A_512 = vector.shape_cast %parallel_loop3A_507 : vector<16xf32> to vector<1x16xf32>
      tpu.vector_store %arg7[%parallel_loop3A_508, %parallel_loop3A_509], %parallel_loop3A_512 {strides = array<i32>} : memref<256x64xf32, #tpu.memory_space<vmem>>, vector<1x16xf32>,
      %parallel_loop3A_513 = arith.constant 32 : i32
      %parallel_loop3A_514 = arith.addi %parallel_loop3A_380, %parallel_loop3A_513 : i32
      %parallel_loop3A_515 = arith.index_cast %parallel_loop3A_514 : i32 to index
      %parallel_loop3A_516 = tpu.vector_load %arg5[%parallel_loop3A_515] {strides = array<i32>} : memref<8448xf32, #tpu.memory_space<vmem>>, vector<16xf32>,
      %parallel_loop3A_517 = vector.shape_cast %parallel_loop3A_516 : vector<16xf32> to vector<16xf32>
      %parallel_loop3A_518 = arith.constant 96 : i32
      %parallel_loop3A_519 = arith.addi %parallel_loop3A_382, %parallel_loop3A_518 : i32
      %parallel_loop3A_520 = arith.index_cast %parallel_loop3A_519 : i32 to index
      %parallel_loop3A_521 = tpu.vector_load %arg5[%parallel_loop3A_520] {strides = array<i32>} : memref<8448xf32, #tpu.memory_space<vmem>>, vector<16xf32>,
      %parallel_loop3A_522 = vector.shape_cast %parallel_loop3A_521 : vector<16xf32> to vector<16xf32>
      %parallel_loop3A_523 = arith.constant 96 : i32
      %parallel_loop3A_524 = arith.addi %parallel_loop3A_384, %parallel_loop3A_523 : i32
      %parallel_loop3A_525 = arith.index_cast %parallel_loop3A_524 : i32 to index
      %parallel_loop3A_526 = tpu.vector_load %arg5[%parallel_loop3A_525] {strides = array<i32>} : memref<8448xf32, #tpu.memory_space<vmem>>, vector<16xf32>,
      %parallel_loop3A_527 = vector.shape_cast %parallel_loop3A_526 : vector<16xf32> to vector<16xf32>
      %parallel_loop3A_528 = arith.constant 96 : i32
      %parallel_loop3A_529 = arith.addi %parallel_loop3A_386, %parallel_loop3A_528 : i32
      %parallel_loop3A_530 = arith.index_cast %parallel_loop3A_529 : i32 to index
      %parallel_loop3A_531 = tpu.vector_load %arg5[%parallel_loop3A_530] {strides = array<i32>} : memref<8448xf32, #tpu.memory_space<vmem>>, vector<16xf32>,
      %parallel_loop3A_532 = vector.shape_cast %parallel_loop3A_531 : vector<16xf32> to vector<16xf32>
      %parallel_loop3A_533 = arith.constant 96 : i32
      %parallel_loop3A_534 = arith.addi %parallel_loop3A_388, %parallel_loop3A_533 : i32
      %parallel_loop3A_535 = arith.index_cast %parallel_loop3A_534 : i32 to index
      %parallel_loop3A_536 = tpu.vector_load %arg5[%parallel_loop3A_535] {strides = array<i32>} : memref<8448xf32, #tpu.memory_space<vmem>>, vector<16xf32>,
      %parallel_loop3A_537 = vector.shape_cast %parallel_loop3A_536 : vector<16xf32> to vector<16xf32>
      %parallel_loop3A_538 = arith.constant 96 : i32
      %parallel_loop3A_539 = arith.addi %parallel_loop3A_390, %parallel_loop3A_538 : i32
      %parallel_loop3A_540 = arith.index_cast %parallel_loop3A_539 : i32 to index
      %parallel_loop3A_541 = tpu.vector_load %arg5[%parallel_loop3A_540] {strides = array<i32>} : memref<8448xf32, #tpu.memory_space<vmem>>, vector<16xf32>,
      %parallel_loop3A_542 = vector.shape_cast %parallel_loop3A_541 : vector<16xf32> to vector<16xf32>
      %parallel_loop3A_543 = arith.constant 96 : i32
      %parallel_loop3A_544 = arith.addi %parallel_loop3A_392, %parallel_loop3A_543 : i32
      %parallel_loop3A_545 = arith.index_cast %parallel_loop3A_544 : i32 to index
      %parallel_loop3A_546 = tpu.vector_load %arg5[%parallel_loop3A_545] {strides = array<i32>} : memref<8448xf32, #tpu.memory_space<vmem>>, vector<16xf32>,
      %parallel_loop3A_547 = vector.shape_cast %parallel_loop3A_546 : vector<16xf32> to vector<16xf32>
      %parallel_loop3A_548 = arith.constant 96 : i32
      %parallel_loop3A_549 = arith.addi %parallel_loop3A_394, %parallel_loop3A_548 : i32
      %parallel_loop3A_550 = arith.index_cast %parallel_loop3A_549 : i32 to index
      %parallel_loop3A_551 = tpu.vector_load %arg5[%parallel_loop3A_550] {strides = array<i32>} : memref<8448xf32, #tpu.memory_space<vmem>>, vector<16xf32>,
      %parallel_loop3A_552 = vector.shape_cast %parallel_loop3A_551 : vector<16xf32> to vector<16xf32>
      %parallel_loop3A_553 = arith.constant 96 : i32
      %parallel_loop3A_554 = arith.addi %parallel_loop3A_396, %parallel_loop3A_553 : i32
      %parallel_loop3A_555 = arith.index_cast %parallel_loop3A_554 : i32 to index
      %parallel_loop3A_556 = tpu.vector_load %arg5[%parallel_loop3A_555] {strides = array<i32>} : memref<8448xf32, #tpu.memory_space<vmem>>, vector<16xf32>,
      %parallel_loop3A_557 = vector.shape_cast %parallel_loop3A_556 : vector<16xf32> to vector<16xf32>
      %parallel_loop3A_558 = arith.addf %parallel_loop3A_517, %parallel_loop3A_522 : vector<16xf32>
      %parallel_loop3A_559 = arith.addf %parallel_loop3A_527, %parallel_loop3A_532 : vector<16xf32>
      %parallel_loop3A_560 = arith.addf %parallel_loop3A_558, %parallel_loop3A_559 : vector<16xf32>
      %parallel_loop3A_561 = arith.addf %parallel_loop3A_537, %parallel_loop3A_542 : vector<16xf32>
      %parallel_loop3A_562 = arith.addf %parallel_loop3A_547, %parallel_loop3A_552 : vector<16xf32>
      %parallel_loop3A_563 = arith.addf %parallel_loop3A_561, %parallel_loop3A_562 : vector<16xf32>
      %parallel_loop3A_564 = arith.addf %parallel_loop3A_560, %parallel_loop3A_563 : vector<16xf32>
      %parallel_loop3A_565 = arith.addf %parallel_loop3A_564, %parallel_loop3A_557 : vector<16xf32>
      %parallel_loop3A_566 = arith.index_cast %parallel_loop3A_378 : i32 to index
      %parallel_loop3A_567 = arith.constant 32 : index
      %parallel_loop3A_568 = tpu.vector_load %arg7[%parallel_loop3A_566, %parallel_loop3A_567] {strides = array<i32>} : memref<256x64xf32, #tpu.memory_space<vmem>>, vector<1x16xf32>,
      %parallel_loop3A_569 = vector.shape_cast %parallel_loop3A_568 : vector<1x16xf32> to vector<16xf32>
      %parallel_loop3A_570 = vector.shape_cast %parallel_loop3A_565 : vector<16xf32> to vector<1x16xf32>
      tpu.vector_store %arg7[%parallel_loop3A_566, %parallel_loop3A_567], %parallel_loop3A_570 {strides = array<i32>} : memref<256x64xf32, #tpu.memory_space<vmem>>, vector<1x16xf32>,
      %parallel_loop3A_571 = arith.constant 48 : i32
      %parallel_loop3A_572 = arith.addi %parallel_loop3A_380, %parallel_loop3A_571 : i32
      %parallel_loop3A_573 = arith.index_cast %parallel_loop3A_572 : i32 to index
      %parallel_loop3A_574 = tpu.vector_load %arg5[%parallel_loop3A_573] {strides = array<i32>} : memref<8448xf32, #tpu.memory_space<vmem>>, vector<16xf32>,
      %parallel_loop3A_575 = vector.shape_cast %parallel_loop3A_574 : vector<16xf32> to vector<16xf32>
      %parallel_loop3A_576 = arith.constant 112 : i32
      %parallel_loop3A_577 = arith.addi %parallel_loop3A_382, %parallel_loop3A_576 : i32
      %parallel_loop3A_578 = arith.index_cast %parallel_loop3A_577 : i32 to index
      %parallel_loop3A_579 = tpu.vector_load %arg5[%parallel_loop3A_578] {strides = array<i32>} : memref<8448xf32, #tpu.memory_space<vmem>>, vector<16xf32>,
      %parallel_loop3A_580 = vector.shape_cast %parallel_loop3A_579 : vector<16xf32> to vector<16xf32>
      %parallel_loop3A_581 = arith.constant 112 : i32
      %parallel_loop3A_582 = arith.addi %parallel_loop3A_384, %parallel_loop3A_581 : i32
      %parallel_loop3A_583 = arith.index_cast %parallel_loop3A_582 : i32 to index
      %parallel_loop3A_584 = tpu.vector_load %arg5[%parallel_loop3A_583] {strides = array<i32>} : memref<8448xf32, #tpu.memory_space<vmem>>, vector<16xf32>,
      %parallel_loop3A_585 = vector.shape_cast %parallel_loop3A_584 : vector<16xf32> to vector<16xf32>
      %parallel_loop3A_586 = arith.constant 112 : i32
      %parallel_loop3A_587 = arith.addi %parallel_loop3A_386, %parallel_loop3A_586 : i32
      %parallel_loop3A_588 = arith.index_cast %parallel_loop3A_587 : i32 to index
      %parallel_loop3A_589 = tpu.vector_load %arg5[%parallel_loop3A_588] {strides = array<i32>} : memref<8448xf32, #tpu.memory_space<vmem>>, vector<16xf32>,
      %parallel_loop3A_590 = vector.shape_cast %parallel_loop3A_589 : vector<16xf32> to vector<16xf32>
      %parallel_loop3A_591 = arith.constant 112 : i32
      %parallel_loop3A_592 = arith.addi %parallel_loop3A_388, %parallel_loop3A_591 : i32
      %parallel_loop3A_593 = arith.index_cast %parallel_loop3A_592 : i32 to index
      %parallel_loop3A_594 = tpu.vector_load %arg5[%parallel_loop3A_593] {strides = array<i32>} : memref<8448xf32, #tpu.memory_space<vmem>>, vector<16xf32>,
      %parallel_loop3A_595 = vector.shape_cast %parallel_loop3A_594 : vector<16xf32> to vector<16xf32>
      %parallel_loop3A_596 = arith.constant 112 : i32
      %parallel_loop3A_597 = arith.addi %parallel_loop3A_390, %parallel_loop3A_596 : i32
      %parallel_loop3A_598 = arith.index_cast %parallel_loop3A_597 : i32 to index
      %parallel_loop3A_599 = tpu.vector_load %arg5[%parallel_loop3A_598] {strides = array<i32>} : memref<8448xf32, #tpu.memory_space<vmem>>, vector<16xf32>,
      %parallel_loop3A_600 = vector.shape_cast %parallel_loop3A_599 : vector<16xf32> to vector<16xf32>
      %parallel_loop3A_601 = arith.constant 112 : i32
      %parallel_loop3A_602 = arith.addi %parallel_loop3A_392, %parallel_loop3A_601 : i32
      %parallel_loop3A_603 = arith.index_cast %parallel_loop3A_602 : i32 to index
      %parallel_loop3A_604 = tpu.vector_load %arg5[%parallel_loop3A_603] {strides = array<i32>} : memref<8448xf32, #tpu.memory_space<vmem>>, vector<16xf32>,
      %parallel_loop3A_605 = vector.shape_cast %parallel_loop3A_604 : vector<16xf32> to vector<16xf32>
      %parallel_loop3A_606 = arith.constant 112 : i32
      %parallel_loop3A_607 = arith.addi %parallel_loop3A_394, %parallel_loop3A_606 : i32
      %parallel_loop3A_608 = arith.index_cast %parallel_loop3A_607 : i32 to index
      %parallel_loop3A_609 = tpu.vector_load %arg5[%parallel_loop3A_608] {strides = array<i32>} : memref<8448xf32, #tpu.memory_space<vmem>>, vector<16xf32>,
      %parallel_loop3A_610 = vector.shape_cast %parallel_loop3A_609 : vector<16xf32> to vector<16xf32>
      %parallel_loop3A_611 = arith.constant 112 : i32
      %parallel_loop3A_612 = arith.addi %parallel_loop3A_396, %parallel_loop3A_611 : i32
      %parallel_loop3A_613 = arith.index_cast %parallel_loop3A_612 : i32 to index
      %parallel_loop3A_614 = tpu.vector_load %arg5[%parallel_loop3A_613] {strides = array<i32>} : memref<8448xf32, #tpu.memory_space<vmem>>, vector<16xf32>,
      %parallel_loop3A_615 = vector.shape_cast %parallel_loop3A_614 : vector<16xf32> to vector<16xf32>
      %parallel_loop3A_616 = arith.addf %parallel_loop3A_575, %parallel_loop3A_580 : vector<16xf32>
      %parallel_loop3A_617 = arith.addf %parallel_loop3A_585, %parallel_loop3A_590 : vector<16xf32>
      %parallel_loop3A_618 = arith.addf %parallel_loop3A_616, %parallel_loop3A_617 : vector<16xf32>
      %parallel_loop3A_619 = arith.addf %parallel_loop3A_595, %parallel_loop3A_600 : vector<16xf32>
      %parallel_loop3A_620 = arith.addf %parallel_loop3A_605, %parallel_loop3A_610 : vector<16xf32>
      %parallel_loop3A_621 = arith.addf %parallel_loop3A_619, %parallel_loop3A_620 : vector<16xf32>
      %parallel_loop3A_622 = arith.addf %parallel_loop3A_618, %parallel_loop3A_621 : vector<16xf32>
      %parallel_loop3A_623 = arith.addf %parallel_loop3A_622, %parallel_loop3A_615 : vector<16xf32>
      %parallel_loop3A_624 = arith.index_cast %parallel_loop3A_378 : i32 to index
      %parallel_loop3A_625 = arith.constant 48 : index
      %parallel_loop3A_626 = tpu.vector_load %arg7[%parallel_loop3A_624, %parallel_loop3A_625] {strides = array<i32>} : memref<256x64xf32, #tpu.memory_space<vmem>>, vector<1x16xf32>,
      %parallel_loop3A_627 = vector.shape_cast %parallel_loop3A_626 : vector<1x16xf32> to vector<16xf32>
      %parallel_loop3A_628 = vector.shape_cast %parallel_loop3A_623 : vector<16xf32> to vector<1x16xf32>
      tpu.vector_store %arg7[%parallel_loop3A_624, %parallel_loop3A_625], %parallel_loop3A_628 {strides = array<i32>} : memref<256x64xf32, #tpu.memory_space<vmem>>, vector<1x16xf32>,
    } {sc.loop_unroll_factor = 2 : i64, sc.parallel_access}
    %multiple_of3A_21 = tpu.assume_multiple %mul3A_2, 8 : i32
    "tpu.region"() ({
      %run_scoped3A = tpu.sem_alloc : memref<!tpu.dma_semaphore, #tpu.memory_space<semaphore_mem>>
      %dma_start3A = arith.constant 0 : i32
      %dma_start3A_22 = tpu.memref_slice %arg4[%multiple_of3A_21, %dma_start3A] : memref<8192x64xf32, #tpu.memory_space<hbm>> -> memref<256x64xf32, #tpu.memory_space<hbm>>
      %dma_start3A_23 = arith.constant 0 : i32
      %dma_start3A_24 = tpu.memref_slice %arg4[%multiple_of3A_21, %dma_start3A_23] : memref<8192x64xf32, #tpu.memory_space<hbm>> -> memref<256x64xf32, #tpu.memory_space<hbm>>
      tpu.enqueue_dma source(%arg7 : memref<256x64xf32, #tpu.memory_space<vmem>>) target(%dma_start3A_24 : memref<256x64xf32, #tpu.memory_space<hbm>>) target_semaphore(%run_scoped3A : memref<!tpu.dma_semaphore, #tpu.memory_space<semaphore_mem>>)
      %dma_wait3A = arith.constant 0 : i32
      %dma_wait3A_25 = tpu.memref_slice %arg4[%multiple_of3A_21, %dma_wait3A] : memref<8192x64xf32, #tpu.memory_space<hbm>> -> memref<256x64xf32, #tpu.memory_space<hbm>>
      %dma_wait3A_26 = arith.constant 0 : i32
      %dma_wait3A_27 = tpu.memref_slice %arg4[%multiple_of3A_21, %dma_wait3A_26] : memref<8192x64xf32, #tpu.memory_space<hbm>> -> memref<256x64xf32, #tpu.memory_space<hbm>>
      tpu.wait_dma2 semaphore(%run_scoped3A : memref<!tpu.dma_semaphore, #tpu.memory_space<semaphore_mem>>) src(%arg7 : memref<256x64xf32, #tpu.memory_space<vmem>>) dst(%dma_wait3A_27 : memref<256x64xf32, #tpu.memory_space<hbm>>)
      tpu.yield
    }) : () -> ()
    return
  }
}

module attributes {stable_mosaic.version = 14 : i64} {
  func.func @_fused_body(%arg0: i32, %arg1: memref<2048x16xi32, #tpu.memory_space<vmem>>, %arg2: memref<66x64xf32, #tpu.memory_space<vmem>>, %arg3: memref<64x128xf32, #tpu.memory_space<vmem>>, %arg4: memref<1x64xf32, #tpu.memory_space<vmem>>, %arg5: memref<64x64xf32, #tpu.memory_space<vmem>>, %arg6: memref<1x64xf32, #tpu.memory_space<vmem>>, %arg7: memref<2048x64xf32, #tpu.memory_space<vmem>>) attributes {dimension_semantics = [#tpu.dimension_semantics<arbitrary>], iteration_bounds = array<i64: 4>, scalar_prefetch = 0 : i64, scratch_operands = 0 : i64, tpu.core_type = #tpu.core_type<tc>, window_params = [{transform_indices = @transform_0, window_bounds = array<i64: 2048, 16>}, {pipeline_mode = #tpu.pipeline_mode<synchronous>, transform_indices = @transform_1, window_bounds = array<i64: 66, 64>}, {pipeline_mode = #tpu.pipeline_mode<synchronous>, transform_indices = @transform_2, window_bounds = array<i64: 64, 128>}, {pipeline_mode = #tpu.pipeline_mode<synchronous>, transform_indices = @transform_3, window_bounds = array<i64: 1, 64>}, {pipeline_mode = #tpu.pipeline_mode<synchronous>, transform_indices = @transform_4, window_bounds = array<i64: 64, 64>}, {pipeline_mode = #tpu.pipeline_mode<synchronous>, transform_indices = @transform_5, window_bounds = array<i64: 1, 64>}, {transform_indices = @transform_6, window_bounds = array<i64: 2048, 64>}]} {
    %get3A = arith.constant 0 : index
    %get3A_0 = arith.constant 0 : index
    %get3A_1 = vector.load %arg2[%get3A, %get3A_0] : memref<66x64xf32, #tpu.memory_space<vmem>>, vector<66x64xf32>
    %get3A_2 = arith.constant 0 : index
    %get3A_3 = arith.constant 0 : index
    %get3A_4 = vector.load %arg3[%get3A_2, %get3A_3] : memref<64x128xf32, #tpu.memory_space<vmem>>, vector<64x128xf32>
    %slice3A = vector.extract_strided_slice %get3A_4 {offsets = [0, 0], sizes = [64, 64], strides = [1, 1]} : vector<64x128xf32> to vector<64x64xf32>
    %dot_general3A = arith.constant dense<0.000000e+00> : vector<66x64xf32>
    %dot_general3A_5 = tpu.matmul %get3A_1, %slice3A, %dot_general3A {dimension_numbers = #tpu.dot_dimension_numbers<[1], [1], [0], [0], [0, 0, 1, 0], [], []>, transpose_lhs_hint = false} : vector<66x64xf32>, vector<64x64xf32>, vector<66x64xf32> -> vector<66x64xf32>
    %get3A_6 = arith.constant 0 : index
    %get3A_7 = arith.constant 0 : index
    %get3A_8 = vector.load %arg4[%get3A_6, %get3A_7] : memref<1x64xf32, #tpu.memory_space<vmem>>, vector<1x64xf32>
    %add3A = vector.broadcast %get3A_8 : vector<1x64xf32> to vector<66x64xf32>
    %add3A_9 = arith.addf %dot_general3A_5, %add3A : vector<66x64xf32>
    %slice3A_10 = vector.extract_strided_slice %get3A_4 {offsets = [0, 64], sizes = [64, 64], strides = [1, 1]} : vector<64x128xf32> to vector<64x64xf32>
    %dot_general3A_11 = arith.constant dense<0.000000e+00> : vector<66x64xf32>
    %dot_general3A_12 = tpu.matmul %get3A_1, %slice3A_10, %dot_general3A_11 {dimension_numbers = #tpu.dot_dimension_numbers<[1], [1], [0], [0], [0, 0, 1, 0], [], []>, transpose_lhs_hint = false} : vector<66x64xf32>, vector<64x64xf32>, vector<66x64xf32> -> vector<66x64xf32>
    %mul3A = arith.constant 1.250000e-01 : f32
    %mul3A_13 = vector.broadcast %mul3A : f32 to vector<66x64xf32>
    %mul3A_14 = arith.mulf %dot_general3A_12, %mul3A_13 : vector<66x64xf32>
    %get3A_15 = arith.constant 0 : index
    %get3A_16 = arith.constant 0 : index
    %get3A_17 = vector.load %arg1[%get3A_15, %get3A_16] : memref<2048x16xi32, #tpu.memory_space<vmem>>, vector<2048x16xi32>
    %iota3A = tpu.iota {dimensions = array<i32: 1>} : vector<1x66xi32>
    %slice3A_18 = vector.extract_strided_slice %get3A_17 {offsets = [0, 0], sizes = [2048, 1], strides = [1, 1]} : vector<2048x16xi32> to vector<2048x1xi32>
    %eq3A = vector.broadcast %slice3A_18 : vector<2048x1xi32> to vector<2048x66xi32>
    %eq3A_19 = vector.broadcast %iota3A : vector<1x66xi32> to vector<2048x66xi32>
    %eq3A_20 = arith.cmpi eq, %eq3A, %eq3A_19 : vector<2048x66xi32>
    %convert_element_type3A = arith.extui %eq3A_20 : vector<2048x66xi1> to vector<2048x66xi32>
    %convert_element_type3A_21 = arith.sitofp %convert_element_type3A : vector<2048x66xi32> to vector<2048x66xf32>
    %slice3A_22 = vector.extract_strided_slice %get3A_17 {offsets = [0, 1], sizes = [2048, 1], strides = [1, 1]} : vector<2048x16xi32> to vector<2048x1xi32>
    %eq3A_23 = vector.broadcast %slice3A_22 : vector<2048x1xi32> to vector<2048x66xi32>
    %eq3A_24 = vector.broadcast %iota3A : vector<1x66xi32> to vector<2048x66xi32>
    %eq3A_25 = arith.cmpi eq, %eq3A_23, %eq3A_24 : vector<2048x66xi32>
    %convert_element_type3A_26 = arith.extui %eq3A_25 : vector<2048x66xi1> to vector<2048x66xi32>
    %convert_element_type3A_27 = arith.sitofp %convert_element_type3A_26 : vector<2048x66xi32> to vector<2048x66xf32>
    %slice3A_28 = vector.extract_strided_slice %get3A_17 {offsets = [0, 2], sizes = [2048, 1], strides = [1, 1]} : vector<2048x16xi32> to vector<2048x1xi32>
    %eq3A_29 = vector.broadcast %slice3A_28 : vector<2048x1xi32> to vector<2048x66xi32>
    %eq3A_30 = vector.broadcast %iota3A : vector<1x66xi32> to vector<2048x66xi32>
    %eq3A_31 = arith.cmpi eq, %eq3A_29, %eq3A_30 : vector<2048x66xi32>
    %convert_element_type3A_32 = arith.extui %eq3A_31 : vector<2048x66xi1> to vector<2048x66xi32>
    %convert_element_type3A_33 = arith.sitofp %convert_element_type3A_32 : vector<2048x66xi32> to vector<2048x66xf32>
    %add3A_34 = arith.addf %convert_element_type3A_27, %convert_element_type3A_33 : vector<2048x66xf32>
    %slice3A_35 = vector.extract_strided_slice %get3A_17 {offsets = [0, 3], sizes = [2048, 1], strides = [1, 1]} : vector<2048x16xi32> to vector<2048x1xi32>
    %eq3A_36 = vector.broadcast %slice3A_35 : vector<2048x1xi32> to vector<2048x66xi32>
    %eq3A_37 = vector.broadcast %iota3A : vector<1x66xi32> to vector<2048x66xi32>
    %eq3A_38 = arith.cmpi eq, %eq3A_36, %eq3A_37 : vector<2048x66xi32>
    %convert_element_type3A_39 = arith.extui %eq3A_38 : vector<2048x66xi1> to vector<2048x66xi32>
    %convert_element_type3A_40 = arith.sitofp %convert_element_type3A_39 : vector<2048x66xi32> to vector<2048x66xf32>
    %add3A_41 = arith.addf %add3A_34, %convert_element_type3A_40 : vector<2048x66xf32>
    %slice3A_42 = vector.extract_strided_slice %get3A_17 {offsets = [0, 4], sizes = [2048, 1], strides = [1, 1]} : vector<2048x16xi32> to vector<2048x1xi32>
    %eq3A_43 = vector.broadcast %slice3A_42 : vector<2048x1xi32> to vector<2048x66xi32>
    %eq3A_44 = vector.broadcast %iota3A : vector<1x66xi32> to vector<2048x66xi32>
    %eq3A_45 = arith.cmpi eq, %eq3A_43, %eq3A_44 : vector<2048x66xi32>
    %convert_element_type3A_46 = arith.extui %eq3A_45 : vector<2048x66xi1> to vector<2048x66xi32>
    %convert_element_type3A_47 = arith.sitofp %convert_element_type3A_46 : vector<2048x66xi32> to vector<2048x66xf32>
    %add3A_48 = arith.addf %add3A_41, %convert_element_type3A_47 : vector<2048x66xf32>
    %slice3A_49 = vector.extract_strided_slice %get3A_17 {offsets = [0, 5], sizes = [2048, 1], strides = [1, 1]} : vector<2048x16xi32> to vector<2048x1xi32>
    %eq3A_50 = vector.broadcast %slice3A_49 : vector<2048x1xi32> to vector<2048x66xi32>
    %eq3A_51 = vector.broadcast %iota3A : vector<1x66xi32> to vector<2048x66xi32>
    %eq3A_52 = arith.cmpi eq, %eq3A_50, %eq3A_51 : vector<2048x66xi32>
    %convert_element_type3A_53 = arith.extui %eq3A_52 : vector<2048x66xi1> to vector<2048x66xi32>
    %convert_element_type3A_54 = arith.sitofp %convert_element_type3A_53 : vector<2048x66xi32> to vector<2048x66xf32>
    %add3A_55 = arith.addf %add3A_48, %convert_element_type3A_54 : vector<2048x66xf32>
    %slice3A_56 = vector.extract_strided_slice %get3A_17 {offsets = [0, 6], sizes = [2048, 1], strides = [1, 1]} : vector<2048x16xi32> to vector<2048x1xi32>
    %eq3A_57 = vector.broadcast %slice3A_56 : vector<2048x1xi32> to vector<2048x66xi32>
    %eq3A_58 = vector.broadcast %iota3A : vector<1x66xi32> to vector<2048x66xi32>
    %eq3A_59 = arith.cmpi eq, %eq3A_57, %eq3A_58 : vector<2048x66xi32>
    %convert_element_type3A_60 = arith.extui %eq3A_59 : vector<2048x66xi1> to vector<2048x66xi32>
    %convert_element_type3A_61 = arith.sitofp %convert_element_type3A_60 : vector<2048x66xi32> to vector<2048x66xf32>
    %add3A_62 = arith.addf %add3A_55, %convert_element_type3A_61 : vector<2048x66xf32>
    %slice3A_63 = vector.extract_strided_slice %get3A_17 {offsets = [0, 7], sizes = [2048, 1], strides = [1, 1]} : vector<2048x16xi32> to vector<2048x1xi32>
    %eq3A_64 = vector.broadcast %slice3A_63 : vector<2048x1xi32> to vector<2048x66xi32>
    %eq3A_65 = vector.broadcast %iota3A : vector<1x66xi32> to vector<2048x66xi32>
    %eq3A_66 = arith.cmpi eq, %eq3A_64, %eq3A_65 : vector<2048x66xi32>
    %convert_element_type3A_67 = arith.extui %eq3A_66 : vector<2048x66xi1> to vector<2048x66xi32>
    %convert_element_type3A_68 = arith.sitofp %convert_element_type3A_67 : vector<2048x66xi32> to vector<2048x66xf32>
    %add3A_69 = arith.addf %add3A_62, %convert_element_type3A_68 : vector<2048x66xf32>
    %slice3A_70 = vector.extract_strided_slice %get3A_17 {offsets = [0, 8], sizes = [2048, 1], strides = [1, 1]} : vector<2048x16xi32> to vector<2048x1xi32>
    %eq3A_71 = vector.broadcast %slice3A_70 : vector<2048x1xi32> to vector<2048x66xi32>
    %eq3A_72 = vector.broadcast %iota3A : vector<1x66xi32> to vector<2048x66xi32>
    %eq3A_73 = arith.cmpi eq, %eq3A_71, %eq3A_72 : vector<2048x66xi32>
    %convert_element_type3A_74 = arith.extui %eq3A_73 : vector<2048x66xi1> to vector<2048x66xi32>
    %convert_element_type3A_75 = arith.sitofp %convert_element_type3A_74 : vector<2048x66xi32> to vector<2048x66xf32>
    %add3A_76 = arith.addf %add3A_69, %convert_element_type3A_75 : vector<2048x66xf32>
    %dot_general3A_77 = arith.constant dense<0.000000e+00> : vector<2048x64xf32>
    %dot_general3A_78 = tpu.matmul %convert_element_type3A_21, %add3A_9, %dot_general3A_77 {dimension_numbers = #tpu.dot_dimension_numbers<[1], [0], [0], [1], [0, 0, 1, 1], [], []>, transpose_lhs_hint = false} : vector<2048x66xf32>, vector<66x64xf32>, vector<2048x64xf32> -> vector<2048x64xf32>
    %dot_general3A_79 = arith.constant dense<0.000000e+00> : vector<2048x64xf32>
    %dot_general3A_80 = tpu.matmul %add3A_76, %mul3A_14, %dot_general3A_79 {dimension_numbers = #tpu.dot_dimension_numbers<[1], [0], [0], [1], [0, 0, 1, 1], [], []>, transpose_lhs_hint = false} : vector<2048x66xf32>, vector<66x64xf32>, vector<2048x64xf32> -> vector<2048x64xf32>
    %add3A_81 = arith.addf %dot_general3A_78, %dot_general3A_80 : vector<2048x64xf32>
    %max3A = arith.constant 0.000000e+00 : f32
    %max3A_82 = vector.broadcast %max3A : f32 to vector<2048x64xf32>
    %max3A_83 = arith.maximumf %add3A_81, %max3A_82 : vector<2048x64xf32>
    %get3A_84 = arith.constant 0 : index
    %get3A_85 = arith.constant 0 : index
    %get3A_86 = vector.load %arg5[%get3A_84, %get3A_85] : memref<64x64xf32, #tpu.memory_space<vmem>>, vector<64x64xf32>
    %dot_general3A_87 = arith.constant dense<0.000000e+00> : vector<2048x64xf32>
    %dot_general3A_88 = tpu.matmul %max3A_83, %get3A_86, %dot_general3A_87 {dimension_numbers = #tpu.dot_dimension_numbers<[1], [1], [0], [0], [0, 0, 1, 0], [], []>, transpose_lhs_hint = false} : vector<2048x64xf32>, vector<64x64xf32>, vector<2048x64xf32> -> vector<2048x64xf32>
    %get3A_89 = arith.constant 0 : index
    %get3A_90 = arith.constant 0 : index
    %get3A_91 = vector.load %arg6[%get3A_89, %get3A_90] : memref<1x64xf32, #tpu.memory_space<vmem>>, vector<1x64xf32>
    %add3A_92 = vector.broadcast %get3A_91 : vector<1x64xf32> to vector<2048x64xf32>
    %add3A_93 = arith.addf %dot_general3A_88, %add3A_92 : vector<2048x64xf32>
    %swap3A = arith.constant 0 : index
    %swap3A_94 = arith.constant 0 : index
    %swap3A_95 = vector.load %arg7[%swap3A, %swap3A_94] : memref<2048x64xf32, #tpu.memory_space<vmem>>, vector<2048x64xf32>
    tpu.vector_store %arg7[%swap3A, %swap3A_94], %add3A_93 {strides = array<i32>} : memref<2048x64xf32, #tpu.memory_space<vmem>>, vector<2048x64xf32>,
    return
  }
  func.func @transform_0(%arg0: i32) -> (i32, i32) {
    %add3A = arith.constant 4 : i32
    %add3A_0 = arith.addi %arg0, %add3A : i32
    %c0_i32 = arith.constant 0 : i32
    %c0_i32_1 = arith.constant 0 : i32
    return %add3A_0, %c0_i32 : i32, i32
  }
  func.func @transform_1(%arg0: i32) -> (i32, i32) {
    %c0_i32 = arith.constant 0 : i32
    %c0_i32_0 = arith.constant 0 : i32
    %c0_i32_1 = arith.constant 0 : i32
    return %c0_i32, %c0_i32_0 : i32, i32
  }
  func.func @transform_2(%arg0: i32) -> (i32, i32) {
    %c0_i32 = arith.constant 0 : i32
    %c0_i32_0 = arith.constant 0 : i32
    %c0_i32_1 = arith.constant 0 : i32
    return %c0_i32, %c0_i32_0 : i32, i32
  }
  func.func @transform_3(%arg0: i32) -> (i32, i32) {
    %c0_i32 = arith.constant 0 : i32
    %c0_i32_0 = arith.constant 0 : i32
    %c0_i32_1 = arith.constant 0 : i32
    return %c0_i32, %c0_i32_0 : i32, i32
  }
  func.func @transform_4(%arg0: i32) -> (i32, i32) {
    %c0_i32 = arith.constant 0 : i32
    %c0_i32_0 = arith.constant 0 : i32
    %c0_i32_1 = arith.constant 0 : i32
    return %c0_i32, %c0_i32_0 : i32, i32
  }
  func.func @transform_5(%arg0: i32) -> (i32, i32) {
    %c0_i32 = arith.constant 0 : i32
    %c0_i32_0 = arith.constant 0 : i32
    %c0_i32_1 = arith.constant 0 : i32
    return %c0_i32, %c0_i32_0 : i32, i32
  }
  func.func @transform_6(%arg0: i32) -> (i32, i32) {
    %add3A = arith.constant 4 : i32
    %add3A_0 = arith.addi %arg0, %add3A : i32
    %c0_i32 = arith.constant 0 : i32
    %c0_i32_1 = arith.constant 0 : i32
    return %add3A_0, %c0_i32 : i32, i32
  }
}

module attributes {stable_mosaic.version = 14 : i64} {
  func.func @_mlp_body(%arg0: i32, %arg1: memref<16384x64xf32, #tpu.memory_space<any>>, %arg2: memref<2048x64xf32, #tpu.memory_space<vmem>>, %arg3: memref<64x64xf32, #tpu.memory_space<vmem>>, %arg4: memref<1x64xf32, #tpu.memory_space<vmem>>, %arg5: memref<2048x64xf32, #tpu.memory_space<vmem>>) attributes {dimension_semantics = [#tpu.dimension_semantics<arbitrary>], iteration_bounds = array<i64: 4>, scalar_prefetch = 0 : i64, scratch_operands = 0 : i64, tpu.core_type = #tpu.core_type<tc>, window_params = [{}, {transform_indices = @transform_1, window_bounds = array<i64: 2048, 64>}, {pipeline_mode = #tpu.pipeline_mode<synchronous>, transform_indices = @transform_2, window_bounds = array<i64: 64, 64>}, {pipeline_mode = #tpu.pipeline_mode<synchronous>, transform_indices = @transform_3, window_bounds = array<i64: 1, 64>}, {transform_indices = @transform_4, window_bounds = array<i64: 2048, 64>}]} {
    %get3A = arith.constant 0 : index
    %get3A_0 = arith.constant 0 : index
    %get3A_1 = vector.load %arg2[%get3A, %get3A_0] : memref<2048x64xf32, #tpu.memory_space<vmem>>, vector<2048x64xf32>
    %max3A = arith.constant 0.000000e+00 : f32
    %max3A_2 = vector.broadcast %max3A : f32 to vector<2048x64xf32>
    %max3A_3 = arith.maximumf %get3A_1, %max3A_2 : vector<2048x64xf32>
    %get3A_4 = arith.constant 0 : index
    %get3A_5 = arith.constant 0 : index
    %get3A_6 = vector.load %arg3[%get3A_4, %get3A_5] : memref<64x64xf32, #tpu.memory_space<vmem>>, vector<64x64xf32>
    %dot_general3A = arith.constant dense<0.000000e+00> : vector<2048x64xf32>
    %dot_general3A_7 = tpu.matmul %max3A_3, %get3A_6, %dot_general3A {dimension_numbers = #tpu.dot_dimension_numbers<[1], [1], [0], [0], [0, 0, 1, 0], [], []>, transpose_lhs_hint = false} : vector<2048x64xf32>, vector<64x64xf32>, vector<2048x64xf32> -> vector<2048x64xf32>
    %get3A_8 = arith.constant 0 : index
    %get3A_9 = arith.constant 0 : index
    %get3A_10 = vector.load %arg4[%get3A_8, %get3A_9] : memref<1x64xf32, #tpu.memory_space<vmem>>, vector<1x64xf32>
    %add3A = vector.broadcast %get3A_10 : vector<1x64xf32> to vector<2048x64xf32>
    %add3A_11 = arith.addf %dot_general3A_7, %add3A : vector<2048x64xf32>
    %swap3A = arith.constant 0 : index
    %swap3A_12 = arith.constant 0 : index
    %swap3A_13 = vector.load %arg5[%swap3A, %swap3A_12] : memref<2048x64xf32, #tpu.memory_space<vmem>>, vector<2048x64xf32>
    tpu.vector_store %arg5[%swap3A, %swap3A_12], %add3A_11 {strides = array<i32>} : memref<2048x64xf32, #tpu.memory_space<vmem>>, vector<2048x64xf32>,
    return
  }
  func.func @transform_1(%arg0: i32) -> (i32, i32) {
    %c0_i32 = arith.constant 0 : i32
    %c0_i32_0 = arith.constant 0 : i32
    return %arg0, %c0_i32 : i32, i32
  }
  func.func @transform_2(%arg0: i32) -> (i32, i32) {
    %c0_i32 = arith.constant 0 : i32
    %c0_i32_0 = arith.constant 0 : i32
    %c0_i32_1 = arith.constant 0 : i32
    return %c0_i32, %c0_i32_0 : i32, i32
  }
  func.func @transform_3(%arg0: i32) -> (i32, i32) {
    %c0_i32 = arith.constant 0 : i32
    %c0_i32_0 = arith.constant 0 : i32
    %c0_i32_1 = arith.constant 0 : i32
    return %c0_i32, %c0_i32_0 : i32, i32
  }
  func.func @transform_4(%arg0: i32) -> (i32, i32) {
    %c0_i32 = arith.constant 0 : i32
    %c0_i32_0 = arith.constant 0 : i32
    return %arg0, %c0_i32 : i32, i32
  }
}

module attributes {stable_mosaic.version = 14 : i64} {
  func.func @_fold_body(%arg0: memref<66x64xf32, #tpu.memory_space<vmem>>, %arg1: memref<64x128xf32, #tpu.memory_space<vmem>>, %arg2: memref<1x64xf32, #tpu.memory_space<vmem>>, %arg3: memref<66x128xf32, #tpu.memory_space<vmem>>) attributes {dimension_semantics = [], scalar_prefetch = 0 : i64, scratch_operands = 0 : i64, tpu.core_type = #tpu.core_type<tc>} {
    %get3A = arith.constant 0 : index
    %get3A_0 = arith.constant 0 : index
    %get3A_1 = vector.load %arg0[%get3A, %get3A_0] : memref<66x64xf32, #tpu.memory_space<vmem>>, vector<66x64xf32>
    %get3A_2 = arith.constant 0 : index
    %get3A_3 = arith.constant 0 : index
    %get3A_4 = vector.load %arg1[%get3A_2, %get3A_3] : memref<64x128xf32, #tpu.memory_space<vmem>>, vector<64x128xf32>
    %slice3A = vector.extract_strided_slice %get3A_4 {offsets = [0, 0], sizes = [64, 64], strides = [1, 1]} : vector<64x128xf32> to vector<64x64xf32>
    %dot_general3A = arith.constant dense<0.000000e+00> : vector<66x64xf32>
    %dot_general3A_5 = tpu.matmul %get3A_1, %slice3A, %dot_general3A {dimension_numbers = #tpu.dot_dimension_numbers<[1], [1], [0], [0], [0, 0, 1, 0], [], []>, transpose_lhs_hint = false} : vector<66x64xf32>, vector<64x64xf32>, vector<66x64xf32> -> vector<66x64xf32>
    %get3A_6 = arith.constant 0 : index
    %get3A_7 = arith.constant 0 : index
    %get3A_8 = vector.load %arg2[%get3A_6, %get3A_7] : memref<1x64xf32, #tpu.memory_space<vmem>>, vector<1x64xf32>
    %add3A = vector.broadcast %get3A_8 : vector<1x64xf32> to vector<66x64xf32>
    %add3A_9 = arith.addf %dot_general3A_5, %add3A : vector<66x64xf32>
    %swap3A = arith.constant 0 : index
    %swap3A_10 = arith.constant 0 : index
    %swap3A_11 = vector.load %arg3[%swap3A, %swap3A_10] : memref<66x128xf32, #tpu.memory_space<vmem>>, vector<66x64xf32>
    tpu.vector_store %arg3[%swap3A, %swap3A_10], %add3A_9 {strides = array<i32>} : memref<66x128xf32, #tpu.memory_space<vmem>>, vector<66x64xf32>,
    %slice3A_12 = vector.extract_strided_slice %get3A_4 {offsets = [0, 64], sizes = [64, 64], strides = [1, 1]} : vector<64x128xf32> to vector<64x64xf32>
    %dot_general3A_13 = arith.constant dense<0.000000e+00> : vector<66x64xf32>
    %dot_general3A_14 = tpu.matmul %get3A_1, %slice3A_12, %dot_general3A_13 {dimension_numbers = #tpu.dot_dimension_numbers<[1], [1], [0], [0], [0, 0, 1, 0], [], []>, transpose_lhs_hint = false} : vector<66x64xf32>, vector<64x64xf32>, vector<66x64xf32> -> vector<66x64xf32>
    %mul3A = arith.constant 1.250000e-01 : f32
    %mul3A_15 = vector.broadcast %mul3A : f32 to vector<66x64xf32>
    %mul3A_16 = arith.mulf %dot_general3A_14, %mul3A_15 : vector<66x64xf32>
    %swap3A_17 = arith.constant 0 : index
    %swap3A_18 = arith.constant 64 : index
    %swap3A_19 = vector.load %arg3[%swap3A_17, %swap3A_18] : memref<66x128xf32, #tpu.memory_space<vmem>>, vector<66x64xf32>
    tpu.vector_store %arg3[%swap3A_17, %swap3A_18], %mul3A_16 {strides = array<i32>} : memref<66x128xf32, #tpu.memory_space<vmem>>, vector<66x64xf32>,
    return
  }
}

</mosaic_0001>

<sc_bundles>
// kernel: _run.6.cloned.1.call-start
scs
__scs_entry_jumppad:
0x0: {  	(pc) =	sbr.rel $0x88, $3  }
0x1: {  	(tag) =	ssettag $0x0;
	lr =	simm.s32 $0x1  }
0x2: {  	[smem:$0x3F9A] =	sst lr;
	_ =	strace $0xD0000000  }
0x3: {  	_ = 	snop  }
0x4: {  	_ = 	snop  }
0x5: {  	_ = 	snop  }
0x6: {  	_ = 	snop  }
0x7: {  	_ = 	snop  }
__scs_overlays_trampoline_lowered:
0x8: {  	[smem:$0x3FA9] =	sst s0  }
0x9: {  	[smem:$0x3FAA] =	sst s1  }
0xa: {  	[smem:$0x3FAB] =	sst s2  }
0xb: {  	[smem:$0x3FAC] =	sst s3  }
0xc: {  	[smem:$0x3FAD] =	sst s4  }
0xd: {  	[smem:$0x3FAE] =	sst s5  }
0xe: {  	[smem:$0x3FAF] =	sst s6  }
0xf: {  	[smem:$0x3FB0] =	sst s7  }
0x10: {  	[smem:$0x3FB1] =	sst s8  }
0x11: {  	[smem:$0x3FB2] =	sst s9;
	s0 =	simm.s32 @!p0 $0x0  }
0x12: {  	s1 =	sld [smem:$0x3F98];
	s0 =	simm.s32 @p0 $0x1  }
0x13: {  	[smem:$0x3FB3] =	sst s0;
	s0 =	simm.s32 @!p1 $0x0  }
0x14: {  	s2 =	sld [smem:$0x3F97];
	s0 =	simm.s32 @p1 $0x1  }
0x15: {  	[smem:$0x3FB4] =	sst s0;
	s0 =	simm.s32 @!p2 $0x0  }
0x16: {  	s3 =	sld [smem:$0x3FDB];
	s0 =	simm.s32 @p2 $0x1  }
0x17: {  	s4 =	simm.s32 $0x1BF5;
	[smem:$0x3FB6] =	sst s0  }
0x18: {  	s0 =	sld [smem:$0x3F99];
	_ =	swait.ge [sflag:s4], $0x0  }
0x19: {  	s7 =	sld [smem:$0x3F9A]  }
0x1a: {  	s8 =	sadd.s32 $0xFFFFE003, lr  }
0x1b: {  	s9 =	sadd.s32 $0xFFFFFEF7, lr;
	s5 =	simm.s32 $0xFFFFFFFF;
	p2 =	slt.u32 s8, $0xFFFFF086  }
0x1c: {  	p1 =	slt.u32 s9, $0xF7A;
	s5 =	simm.s32 @!p2 $0x0  }
0x1d: {  	s5 =	simm.s32 @p1 $0x1;
	p0 =	seq.s32 s7, s2  }
0x1e: {  	s7 =	smul.u32 @!p0 $0xF7A, s2;
	p2 =	seq.s32 @!p0 s5, $0x0  }
0x1f: {  	s9 =	smul.u32 $0xF7A, s1;
	s8 =	simm.s32 @!p0 $0x1BF5;
	p2 =	por !p2, p0  }
0x20: {  	[sflag:s8] =	ssyncset.s32 @!p0 $0xFFFFF086;
	s6 =	sadd.s32 @!p0 s3, s7;
	s7 =	simm.s32 @!p0 $0x108  }
0x21: {  	s3 =	sadd.s32 s3, s9;
	s6 =	sadd.s32 @!p0 $0x88, s6;
	s7 =	simm.s32 @p2 $0x1082  }
0x22: {  	[simem:s7], [sflag:s8] =	dma.local @!p0 [hbm:s6], $0xF7A  }
0x23: {  	s9 =	sor.u32 $0xD0000000, s2;
	s6 =	simm.s32 $0x108;
	_ =	swait.ge @!p0 [sflag:s8], $0x0  }
0x24: {  	s3 =	sadd.s32 $0x88, s3;
	s6 =	simm.s32 @!p1 $0x1082;
	[sflag:s4] =	ssyncset.s32 $0xFFFFF086  }
0x25: {  	[simem:s6], [sflag:s4] =	dma.local [hbm:s3], $0xF7A  }
0x26: {  	[smem:$0x3F9A] =	sst s1;
	(tag) =	ssettag s2;
	_ =	strace s9  }
0x27: {  	s1 =	sld [smem:$0x3FAA]  }
0x28: {  	s2 =	sld [smem:$0x3FAB]  }
0x29: {  	s4 =	sld [smem:$0x3FAD]  }
0x2a: {  	p0 =	seq.s32 s5, $0x0;
	s5 =	sld [smem:$0x3FAE]  }
0x2b: {  	s6 =	sld [smem:$0x3FAF]  }
0x2c: {  	s7 =	sld [smem:$0x3FB0]  }
0x2d: {  	s3 =	simm.s32 $0x108;
	s8 =	sld [smem:$0x3FB1]  }
0x2e: {  	s3 =	simm.s32 @!p0 $0x1082;
	s9 =	sld [smem:$0x3FB2]  }
0x2f: {  	lr =	sadd.s32 s0, s3;
	s0 =	sld [smem:$0x3FA9]  }
0x30: {  	s3 =	sld [smem:$0x3FAC]  }
0x31: {  	[smem:$0x3FB5] =	sst s10  }
0x32: {  	s10 =	sld [smem:$0x3FB3];
	_ =	sdelay $0x3  }
0x33: {  	p0 =	seq.s32 s10, $0x1;
	s10 =	sld [smem:$0x3FB5];
	_ =	sdelay $0x3  }
0x34: {  	[smem:$0x3FB5] =	sst s10  }
0x35: {  	s10 =	sld [smem:$0x3FB4];
	_ =	sdelay $0x3  }
0x36: {  	p1 =	seq.s32 s10, $0x1;
	s10 =	sld [smem:$0x3FB5];
	_ =	sdelay $0x3  }
0x37: {  	[smem:$0x3FB5] =	sst s10  }
0x38: {  	s10 =	sld [smem:$0x3FB6]  }
0x39: {  	_ = 	snop;
	(pc) =	sbr.ind lr, $3  }
0x3a: {  	_ = 	snop  }
0x3b: {  	_ = 	snop  }
0x3c: {  	p2 =	seq.s32 s10, $0x1;
	s10 =	sld [smem:$0x3FB5]  }
0x3d: {  	_ =	shalt  }
0x3e: {  	_ =	shalt  }
0x3f: {  	_ =	shalt  }
0x40: {  	_ =	shalt  }
0x41: {  	_ =	shalt  }
0x42: {  	_ =	shalt  }
0x43: {  	_ =	shalt  }
0x44: {  	_ =	shalt  }
0x45: {  	_ =	shalt  }
0x46: {  	_ =	shalt  }
0x47: {  	_ =	shalt  }
0x48: {  	_ =	shalt  }
0x49: {  	_ =	shalt  }
0x4a: {  	_ =	shalt  }
0x4b: {  	_ =	shalt  }
0x4c: {  	_ =	shalt  }
0x4d: {  	_ =	shalt  }
0x4e: {  	_ =	shalt  }
0x4f: {  	_ =	shalt  }
0x50: {  	_ =	shalt  }
0x51: {  	_ =	shalt  }
0x52: {  	_ =	shalt  }
0x53: {  	_ =	shalt  }
0x54: {  	_ =	shalt  }
0x55: {  	_ =	shalt  }
0x56: {  	_ =	shalt  }
0x57: {  	_ =	shalt  }
0x58: {  	_ =	shalt  }
0x59: {  	_ =	shalt  }
0x5a: {  	_ =	shalt  }
0x5b: {  	_ =	shalt  }
0x5c: {  	_ =	shalt  }
0x5d: {  	_ =	shalt  }
0x5e: {  	_ =	shalt  }
0x5f: {  	_ =	shalt  }
0x60: {  	_ =	shalt  }
0x61: {  	_ =	shalt  }
0x62: {  	_ =	shalt  }
0x63: {  	_ =	shalt  }
0x64: {  	_ =	shalt  }
0x65: {  	_ =	shalt  }
0x66: {  	_ =	shalt  }
0x67: {  	_ =	shalt  }
0x68: {  	_ =	shalt  }
0x69: {  	_ =	shalt  }
0x6a: {  	_ =	shalt  }
0x6b: {  	_ =	shalt  }
0x6c: {  	_ =	shalt  }
0x6d: {  	_ =	shalt  }
0x6e: {  	_ =	shalt  }
0x6f: {  	_ =	shalt  }
0x70: {  	_ =	shalt  }
0x71: {  	_ =	shalt  }
0x72: {  	_ =	shalt  }
0x73: {  	_ =	shalt  }
0x74: {  	_ =	shalt  }
0x75: {  	_ =	shalt  }
0x76: {  	_ =	shalt  }
0x77: {  	_ =	shalt  }
0x78: {  	_ =	shalt  }
0x79: {  	_ =	shalt  }
0x7a: {  	_ =	shalt  }
0x7b: {  	_ =	shalt  }
0x7c: {  	_ =	shalt  }
0x7d: {  	_ =	shalt  }
0x7e: {  	_ =	shalt  }
0x7f: {  	_ =	shalt  }
0x80: {  	_ =	shalt  }
0x81: {  	_ =	shalt  }
0x82: {  	_ =	shalt  }
0x83: {  	_ =	shalt  }
0x84: {  	_ =	shalt  }
0x85: {  	_ =	shalt  }
0x86: {  	_ =	shalt  }
0x87: {  	_ =	shalt  }
.Lfunc_end0:
.L_simem_size_0:
called_computation_lowered:
.L_overlay_start_0:
0x88: {  	s2 =	sld [smem:$0x3FD9]  }
0x89: {  	s3 =	sld [smem:$0x3FFE];
	_ =	sdelay $0x1  }
0x8a: {  	s1 =	srdreg.scid  }
0x8b: {  	s0 =	sand.u32 $0x1, s1  }
0x8c: {  	s17 =	sshll.u32 s0, $0xA;
	s2 =	sadd.s32 s3, s2  }
0x8d: {  	s2 =	sadd.s32 s2, s17  }
0x8e: {  	[smem:$0x3FC1] =	sst s2  }
0x8f: {  	_ = 	snop  }
0x90: {  	s2 =	sld [smem:$0x3FC8]  }
0x91: {  	s18 =	sld [smem:$0x3FD0];
	(tm) =	ssettm $0x1  }
0x92: {  	s4 =	sld [smem:$0x3FFB];
	_ =	sdelay $0x3  }
0x93: {  	_ =	strace s4  }
0x94: {  	s4 =	sld [smem:$0x3FFC];
	_ =	sdelay $0x3  }
0x95: {  	_ =	strace s4  }
0x96: {  	s4 =	sld [smem:$0x3FFD];
	_ =	sdelay $0x3  }
0x97: {  	_ =	strace s4  }
0x98: {  	_ =	strace $0x8FFFFFFF  }
0x99: {  	s19 =	sld [smem:$0x3FDB];
	_ =	sdelay $0x1  }
0x9a: {  	s5 =	simm.s32 $_scs_section_size  }
0x9b: {  	s6 =	simm.s32 $_size__tile_overlayer_lowered;
	s7 =	simm.s32 $_tile_overlayer_lowered  }
0x9c: {  	s22 =	simm.s32 $0x1BFF;
	s21 =	sshll.u32 s7, $0x1;
	s4 =	sadd.s32 s5, s19  }
0x9d: {  	s8 =	simm.s32 $0x0;
	s20 =	sshll.u32 s6, $0x1;
	s6 =	sadd.s32 s21, s4  }
0x9e: {  	[timem:s8], [sflag:s22] =	dma.local [hbm:s6], s20  }
0x9f: {  	_ =	swait.ge [sflag:s22], s20  }
0xa0: {  	s5 =	ssub.s32 $0x0, s20;
	[sflag:s22] =	ssyncset.done $0x0  }
0xa1: {  	[sflag:s22] =	ssyncadd.s32 s5;
	_ =	sdelay $0x1  }
0xa2: {  	s23 =	simm.s32 $0x1B8B  }
0xa3: {  	_ =	swait.ge [sflag:s23], $0x1  }
0xa4: {  	[sflag:s23] =	ssyncset.done $0x0  }
0xa5: {  	s25 =	simm.s32 $0x1B8E;
	s24 =	sld [smem:$0x3FFE];
	[sflag:s23] =	ssyncadd.s32 $0xFFFFFFFF  }
0xa6: {  	s26 =	simm.s32 $execute0_lowered;
	[smem:$0x3FD2] =	sst s25  }
0xa7: {  	s6 =	sshll.u32 s26, $0x1;
	_ =	strace $0x80000046;
	[dreg:$0x1] =	wrdreg $0xFFFFFFFF  }
0xa8: {  	s28 =	simm.s32 $_size_execute0_lowered;
	s4 =	sadd.s32 s4, s6;
	[dreg:$0x0] =	wrdreg $0x0  }
0xa9: {  	s6 =	sshll.u32 s28, $0x1;
	[dreg:$0x2] =	wrdreg s4  }
0xaa: {  	[dreg:$0x3] =	wrdreg s6  }
0xab: {  	[dreg:$0x4] =	wrdreg $0xC0  }
0xac: {  	_ =	task [dreg:s8], $0x5FFFF  }
0xad: {  	[dreg:$0x1] =	wrdreg $0xFFFFFFFF  }
0xae: {  	[dreg:$0x0] =	wrdreg $0x60  }
0xaf: {  	[dreg:$0x2] =	wrdreg s24  }
0xb0: {  	[dreg:$0x3] =	wrdreg s2  }
0xb1: {  	[dreg:$0x4] =	wrdreg s18  }
0xb2: {  	[dreg:$0x5] =	wrdreg $0x9  }
0xb3: {  	_ =	task.clear_ibuf [dreg:s8], $0x6FFFF;
	_ =	strace $0x90000046  }
0xb4: {  	s29 =	simm.s32 $0x9;
	_ =	strace $0x80000048  }
0xb5: {  	_ =	swait.ge [sflag:s29], $0x1  }
0xb6: {  	[sflag:s29] =	ssyncadd.s32 $0xFFFFFFFF  }
0xb7: {  	_ =	strace $0x90000048  }
0xb8: {  	_ =	sfence  }
0xb9: {  	s30 =	sld [smem:$0x0];
	_ =	sdelay $0x2  }
0xba: {  	s31 =	sshll.u32 s1, $0xD;
	s1 =	sshrl.u32 s1, $0x2  }
0xbb: {  	s3 =	sand.u32 $0x4000, s31;
	s1 =	sadd.s32 s1, s30  }
0xbc: {  	s0 =	sor.u32 s3, s0;
	s1 =	sshll.u32 s1, $0x11  }
0xbd: {  	s0 =	sor.u32 s1, s0  }
0xbe: {  	s0 =	sadd.s32 $0x8F2B, s0  }
0xbf: {  	[sflag:s0] =	ssyncadd.remote.s32 $0x1  }
0xc0: {  	_ =	sfence.sel $0xFFFF  }
0xc1: {  	[dreg:$0x0] =	wrdreg $0xFFFFFFFF;
	(pc) =	sbr.abs _section_cstart, $3  }
0xc2: {  	[dreg:$0x1] =	wrdreg $0xFFFFFFFF  }
0xc3: {  	_ =	task.clear_ibuf [dreg:s8], $0x2FFFF;
	_ =	strace $0x9FFFFFFF  }
0xc4: {  	(tm) =	ssettm $0x7FFFFFFF  }
0xc5: {  	_ =	shalt  }
tec
execute0_lowered:
.L_overlay_start_1:
0x0: {  	(tag) =	ssettag $0x1  }
0x1: {  	s0 =	rddreg [dreg:$0x0]  }
0x2: {  	s1 =	rddreg [dreg:$0x1]  }
0x3: {  	s2 =	rddreg [dreg:$0x2];
	s3 =	srdreg.scid  }
0x4: {  	s6 =	simm.s32 $0x0;
	s4 =	stileid.u32;
	s3 =	sand.u32 $0x1, s3  }
0x5: {  	[smem:$0x7FF] =	sst s6;
	s4 =	sshll.u32 s4, $0x9;
	s5 =	sshll.u32 s3, $0x8  }
0x6: {  	s0 =	sadd.s32 $0x1600, s0;
	s3 =	ssub.s32 $0x2, s3;
	s4 =	sor.u32 s5, s4  }
0x7: {  	_ =	strace $0x80000047;
	s30 =	sshrl.u32 s3, $0x1;
	s5 =	sshll.u32 s4, $0x1  }
0x8: {  	[dreg:$0x14] =	wrdreg s0;
	s0 =	ssub.s32 s3, s30;
	s1 =	sadd.s32 s1, s5  }
0x9: {  	s31 =	sshll.u32 s4, $0x4;
	s0 =	smax.u32 s0, $0x1;
	[dreg:$0x15] =	wrdreg s1  }
0xa: {  	s1 =	sadd.s32 s2, s31;
	[dreg:$0x17] =	wrdreg s0  }
0xb: {  	s2 =	simm.s32 $0x1;
	[dreg:$0x16] =	wrdreg s1;
	s1 =	simm.s32 $0x0  }
.LBB2_1:
0xc: {  	[dreg:$0x18] =	wrdreg s1  }
0xd: {  	s0 =	rddreg [dreg:$0x14]  }
0xe: {  	[tilespmem:s6], [sflag:$0x1] =	stream.linear.gather [hbm4b:s0+s6], $0x2100, $0x38;
	[tilespmem:$0xB100] =	vst v63  }
0xf: {  	_ =	swait.ge [sflag:s2], $0x2100  }
0x10: {  	[sflag:s2] =	ssyncset.done $0x0  }
0x11: {  	s19 =	simm.s32 $0x2100;
	s18 =	rddreg [dreg:$0x15];
	[sflag:s2] =	ssyncadd.s32 $0xFFFFDF00  }
0x12: {  	[tilespmem:s19], [sflag:$0x1] =	stream.linear.gather [hbm4b:s18+s6], $0x1000, $0x38;
	[tilespmem:$0xB100] =	vst v63  }
0x13: {  	s20 =	sand.u32 $0xF80, s6;
	s21 =	simm.s32 $0x20;
	_ =	swait.ge [sflag:s2], $0x1000  }
0x14: {  	s0 =	sadd.s32 $0x2100, s20;
	s1 =	sand.u32 $0x60, s21;
	[sflag:s2] =	ssyncset.done $0x0  }
0x15: {  	s18 =	sor.u32 s1, s0;
	[sflag:s2] =	ssyncadd.s32 $0xFFFFF000  }
0x16: {  	v0 =	vld [tilespmem:s18+$0x0];
	_ =	sdelay $0x4  }
0x17: {  	s22 =	sand.u32 $0x40, s6;
	v0 =	vshll.u32 v0, $0x7  }
0x18: {  	s0 =	sor.u32 s22, s0;
	(v2sf) =	vpush v0, $0x0  }
0x19: {  	v1 =	vld [tilespmem:s0+$0x0];
	(v2sf) =	vpush v0, $0x1  }
0x1a: {  	(v2sf) =	vpush v0, $0x2  }
0x1b: {  	(v2sf) =	vpush v0, $0x3  }
0x1c: {  	(v2sf) =	vpush v0, $0x4  }
0x1d: {  	(v2sf) =	vpush v0, $0x5  }
0x1e: {  	v1 =	vshll.u32 v1, $0x7;
	(v2sf) =	vpush v0, $0x6  }
0x1f: {  	(v2sf) =	vpush v1, $0x0  }
0x20: {  	(v2sf) =	vpush v1, $0x1  }
0x21: {  	(v2sf) =	vpush v1, $0x2  }
0x22: {  	(v2sf) =	vpush v1, $0x3  }
0x23: {  	(v2sf) =	vpush v1, $0x4  }
0x24: {  	v2 =	vld [tilespmem:s0+$0x10];
	(v2sf) =	vpush v1, $0x5  }
0x25: {  	(v2sf) =	vpush v0, $0x7;
	_ =	sdelay $0x1  }
0x26: {  	s15 =	spop (v2sf);
	(v2sf) =	vpush v1, $0x6  }
0x27: {  	s14 =	spop (v2sf);
	(v2sf) =	vpush v1, $0x7  }
0x28: {  	v2 =	vshll.u32 v2, $0x7;
	s3 =	spop (v2sf);
	(v2sf) =	vpush v1, $0x8  }
0x29: {  	s5 =	spop (v2sf);
	(v2sf) =	vpush v2, $0x0  }
0x2a: {  	s23 =	spop (v2sf);
	(v2sf) =	vpush v0, $0x8  }
0x2b: {  	s24 =	spop (v2sf)  }
0x2c: {  	s25 =	spop (v2sf)  }
0x2d: {  	v1 =	vld [tilespmem:s14+$0x40];
	s13 =	spop (v2sf)  }
0x2e: {  	v3 =	vld [tilespmem:s3+$0x40];
	s11 =	spop (v2sf)  }
0x2f: {  	v0 =	vld [tilespmem:s15+$0x0];
	s12 =	spop (v2sf)  }
0x30: {  	v4 =	vld [tilespmem:s5+$0x40];
	s9 =	spop (v2sf)  }
0x31: {  	v5 =	vld [tilespmem:s23+$0x40];
	s10 =	spop (v2sf)  }
0x32: {  	v6 =	vld [tilespmem:s24+$0x40];
	s8 =	spop (v2sf)  }
0x33: {  	v7 =	vld [tilespmem:s25+$0x40];
	s17 =	spop (v2sf)  }
0x34: {  	v8 =	vld [tilespmem:s17+$0x40]  }
0x35: {  	s7 =	spop (v2sf)  }
0x36: {  	s4 =	spop (v2sf)  }
0x37: {  	s2 =	spop (v2sf)  }
0x38: {  	v0 =	vadd.f32 v1, v0;
	v1 =	vadd.f32 v4, v3;
	s16 =	spop (v2sf)  }
0x39: {  	v3 =	vadd.f32 v6, v5;
	[dreg:$0x19] =	wrdreg s16;
	v4 =	vadd.f32 v8, v7;
	s26 =	spop (v2sf)  }
0x3a: {  	v5 =	vld [tilespmem:s26+$0x40]  }
0x3b: {  	v0 =	vadd.f32 v1, v0;
	v1 =	vadd.f32 v4, v3;
	_ =	sdelay $0x1  }
0x3c: {  	v0 =	vadd.f32 v1, v0;
	_ =	sdelay $0x1  }
0x3d: {  	v0 =	vadd.f32 v0, v5  }
0x3e: {  	s19 =	simm.s32 $0x3200  }
0x3f: {  	v1 =	vld [tilespmem:s18+$0x10];
	[tilespmem:s19+$0x0] =	vst v0  }
0x40: {  	v0 =	vld [tilespmem:s15+$0x10]  }
0x41: {  	v3 =	vld [tilespmem:s14+$0x50]  }
0x42: {  	v4 =	vld [tilespmem:s3+$0x50]  }
0x43: {  	v5 =	vld [tilespmem:s5+$0x50]  }
0x44: {  	v6 =	vld [tilespmem:s23+$0x50]  }
0x45: {  	v7 =	vld [tilespmem:s24+$0x50]  }
0x46: {  	v8 =	vld [tilespmem:s25+$0x50]  }
0x47: {  	v9 =	vld [tilespmem:s17+$0x50];
	_ =	sdelay $0x3  }
0x48: {  	v0 =	vadd.f32 v3, v0;
	v3 =	vadd.f32 v5, v4  }
0x49: {  	v4 =	vadd.f32 v7, v6;
	v5 =	vadd.f32 v9, v8  }
0x4a: {  	v6 =	vld [tilespmem:s26+$0x50]  }
0x4b: {  	v0 =	vadd.f32 v3, v0;
	v3 =	vadd.f32 v5, v4;
	_ =	sdelay $0x1  }
0x4c: {  	v0 =	vadd.f32 v3, v0;
	_ =	sdelay $0x1  }
0x4d: {  	v0 =	vadd.f32 v0, v6  }
0x4e: {  	s19 =	simm.s32 $0x3200  }
0x4f: {  	[tilespmem:s19+$0x10] =	vst v0  }
0x50: {  	v0 =	vld [tilespmem:s15+$0x20]  }
0x51: {  	v3 =	vld [tilespmem:s14+$0x60]  }
0x52: {  	v4 =	vld [tilespmem:s3+$0x60]  }
0x53: {  	v5 =	vld [tilespmem:s5+$0x60]  }
0x54: {  	v6 =	vld [tilespmem:s23+$0x60]  }
0x55: {  	v7 =	vld [tilespmem:s24+$0x60]  }
0x56: {  	v8 =	vld [tilespmem:s25+$0x60]  }
0x57: {  	v9 =	vld [tilespmem:s17+$0x60];
	_ =	sdelay $0x1  }
0x58: {  	v10 =	vld [tilespmem:s13+$0x0]  }
0x59: {  	(v2sf) =	vpush v2, $0x1;
	v11 =	vld [tilespmem:s11+$0x40]  }
0x5a: {  	v12 =	vld [tilespmem:s12+$0x40];
	v0 =	vadd.f32 v3, v0;
	v3 =	vadd.f32 v5, v4  }
0x5b: {  	v4 =	vld [tilespmem:s9+$0x40];
	v5 =	vadd.f32 v7, v6;
	v6 =	vadd.f32 v9, v8  }
0x5c: {  	(v2sf) =	vpush v2, $0x2;
	v7 =	vld [tilespmem:s26+$0x60]  }
0x5d: {  	v8 =	vld [tilespmem:s10+$0x40];
	v0 =	vadd.f32 v3, v0;
	v3 =	vadd.f32 v6, v5  }
0x5e: {  	(v2sf) =	vpush v2, $0x3;
	v5 =	vld [tilespmem:s8+$0x40]  }
0x5f: {  	(v2sf) =	vpush v2, $0x4;
	v6 =	vld [tilespmem:s7+$0x40];
	v0 =	vadd.f32 v3, v0  }
0x60: {  	(v2sf) =	vpush v2, $0x5;
	v3 =	vld [tilespmem:s4+$0x40]  }
0x61: {  	(v2sf) =	vpush v2, $0x6;
	v0 =	vadd.f32 v0, v7  }
0x62: {  	(v2sf) =	vpush v2, $0x7  }
0x63: {  	(v2sf) =	vpush v2, $0x8;
	v7 =	vld [tilespmem:s2+$0x40];
	[tilespmem:s19+$0x20] =	vst v0  }
0x64: {  	v4 =	vadd.f32 v4, v12;
	v5 =	vadd.f32 v5, v8;
	v9 =	vld [tilespmem:s15+$0x30]  }
0x65: {  	v1 =	vshll.u32 v1, $0x7;
	v0 =	vadd.f32 v11, v10;
	v3 =	vadd.f32 v3, v6;
	v6 =	vld [tilespmem:s14+$0x70]  }
0x66: {  	(v2sf) =	vpush v1, $0x0;
	v2 =	vld [tilespmem:s3+$0x70]  }
0x67: {  	v8 =	vld [tilespmem:s25+$0x70];
	v0 =	vadd.f32 v4, v0;
	v3 =	vadd.f32 v3, v5  }
0x68: {  	(v2sf) =	vpush v1, $0x1;
	v4 =	vld [tilespmem:s5+$0x70]  }
0x69: {  	(v2sf) =	vpush v1, $0x2;
	v5 =	vld [tilespmem:s23+$0x70];
	v0 =	vadd.f32 v3, v0  }
0x6a: {  	(v2sf) =	vpush v1, $0x3;
	v3 =	vld [tilespmem:s24+$0x70]  }
0x6b: {  	(v2sf) =	vpush v1, $0x4;
	v0 =	vadd.f32 v0, v7;
	v7 =	vld [tilespmem:s17+$0x70]  }
0x6c: {  	(v2sf) =	vpush v1, $0x5  }
0x6d: {  	(v2sf) =	vpush v1, $0x6;
	[tilespmem:s19+$0xFFFFFF00] =	vst v0  }
0x6e: {  	(v2sf) =	vpush v1, $0x7;
	s24 =	spop (v2sf);
	v0 =	vld [tilespmem:s13+$0x10]  }
0x6f: {  	v6 =	vadd.f32 v6, v9;
	s6 =	spop (v2sf);
	v2 =	vadd.f32 v4, v2;
	v10 =	vld [tilespmem:s11+$0x50];
	[dreg:$0x4] =	wrdreg s24  }
0x70: {  	s25 =	spop (v2sf);
	v3 =	vadd.f32 v3, v5;
	v4 =	vld [tilespmem:s12+$0x50];
	v5 =	vadd.f32 v7, v8  }
0x71: {  	v7 =	vld [tilespmem:s26+$0x70];
	[dreg:$0xc] =	wrdreg s25;
	s25 =	spop (v2sf)  }
0x72: {  	v2 =	vadd.f32 v2, v6;
	v8 =	vld [tilespmem:s9+$0x50];
	s26 =	spop (v2sf);
	v3 =	vadd.f32 v5, v3  }
0x73: {  	v5 =	vld [tilespmem:s10+$0x50];
	[dreg:$0x7] =	wrdreg s26;
	s1 =	spop (v2sf)  }
0x74: {  	v6 =	vld [tilespmem:s8+$0x50];
	[dreg:$0x6] =	wrdreg s1;
	s3 =	spop (v2sf);
	v2 =	vadd.f32 v3, v2  }
0x75: {  	v3 =	vld [tilespmem:s7+$0x50];
	[dreg:$0x9] =	wrdreg s3  }
0x76: {  	(v2sf) =	vpush v1, $0x8;
	s5 =	spop (v2sf);
	v9 =	vld [tilespmem:s4+$0x50];
	v2 =	vadd.f32 v2, v7  }
0x77: {  	[dreg:$0x5] =	wrdreg s5;
	s24 =	spop (v2sf)  }
0x78: {  	v1 =	vld [tilespmem:s2+$0x50];
	s22 =	spop (v2sf);
	[tilespmem:s19+$0x30] =	vst v2  }
0x79: {  	s23 =	spop (v2sf);
	v2 =	vld [tilespmem:s24+$0x0]  }
0x7a: {  	v0 =	vadd.f32 v10, v0;
	v4 =	vadd.f32 v8, v4;
	s21 =	spop (v2sf);
	v7 =	vld [tilespmem:s22+$0x40]  }
0x7b: {  	v5 =	vadd.f32 v6, v5;
	v6 =	vld [tilespmem:s23+$0x40];
	s17 =	spop (v2sf);
	v3 =	vadd.f32 v9, v3  }
0x7c: {  	v8 =	vld [tilespmem:s21+$0x40];
	s5 =	spop (v2sf)  }
0x7d: {  	v0 =	vadd.f32 v4, v0;
	v4 =	vld [tilespmem:s17+$0x40];
	s30 =	spop (v2sf);
	v3 =	vadd.f32 v3, v5  }
0x7e: {  	v5 =	vld [tilespmem:s5+$0x40];
	s14 =	spop (v2sf)  }
0x7f: {  	v9 =	vld [tilespmem:s14+$0x40];
	v0 =	vadd.f32 v3, v0  }
0x80: {  	v3 =	vld [tilespmem:s30+$0x40]  }
0x81: {  	v0 =	vadd.f32 v0, v1;
	_ =	sdelay $0x1  }
0x82: {  	[tilespmem:s19+$0xFFFFFF10] =	vst v0  }
0x83: {  	v1 =	vadd.f32 v7, v2;
	v2 =	vadd.f32 v8, v6;
	v0 =	vld [tilespmem:s13+$0x20]  }
0x84: {  	v4 =	vadd.f32 v5, v4;
	s20 =	spop (v2sf);
	v6 =	vld [tilespmem:s11+$0x60];
	v3 =	vadd.f32 v9, v3  }
0x85: {  	v5 =	vld [tilespmem:s20+$0x40]  }
0x86: {  	v1 =	vadd.f32 v2, v1;
	v7 =	vld [tilespmem:s12+$0x60];
	v2 =	vadd.f32 v3, v4  }
0x87: {  	v8 =	vld [tilespmem:s7+$0x60]  }
0x88: {  	v9 =	vld [tilespmem:s2+$0x60];
	v1 =	vadd.f32 v2, v1  }
0x89: {  	v3 =	vld [tilespmem:s9+$0x60]  }
0x8a: {  	v4 =	vld [tilespmem:s10+$0x60];
	v1 =	vadd.f32 v1, v5  }
0x8b: {  	v2 =	vld [tilespmem:s8+$0x60]  }
0x8c: {  	v5 =	vld [tilespmem:s4+$0x60];
	[tilespmem:s19+$0x80] =	vst v1  }
0x8d: {  	v1 =	vld [tilespmem:s24+$0x10]  }
0x8e: {  	s19 =	simm.s32 $0x40;
	v10 =	vld [tilespmem:s22+$0x50]  }
0x8f: {  	s3 =	simm.s32 $0x60;
	v11 =	vld [tilespmem:s23+$0x50];
	s1 =	sand.u32 $0xF80, s19  }
0x90: {  	s16 =	sand.u32 $0x60, s3;
	v0 =	vadd.f32 v6, v0;
	v3 =	vadd.f32 v3, v7;
	v6 =	vld [tilespmem:s21+$0x50];
	s15 =	sadd.s32 $0x2100, s1  }
0x91: {  	v2 =	vadd.f32 v2, v4;
	v4 =	vadd.f32 v5, v8;
	v5 =	vld [tilespmem:s17+$0x50];
	[dreg:$0x1c] =	wrdreg s17;
	s26 =	sor.u32 s16, s15  }
0x92: {  	v7 =	vld [tilespmem:s26+$0x0]  }
0x93: {  	v0 =	vadd.f32 v3, v0;
	v3 =	vld [tilespmem:s5+$0x50];
	v2 =	vadd.f32 v4, v2  }
0x94: {  	v4 =	vld [tilespmem:s30+$0x50]  }
0x95: {  	v0 =	vadd.f32 v2, v0;
	v2 =	vld [tilespmem:s14+$0x50];
	_ =	sdelay $0x1  }
0x96: {  	s18 =	smov.u32 s14;
	v1 =	vadd.f32 v10, v1;
	v6 =	vadd.f32 v6, v11;
	s14 =	sand.u32 $0x40, s19;
	v7 =	vshll.u32 v7, $0x7  }
0x97: {  	[dreg:$0x1a] =	wrdreg s18;
	s14 =	sor.u32 s14, s15;
	v0 =	vadd.f32 v0, v9;
	(v2sf) =	vpush v7, $0x0  }
0x98: {  	s1 =	simm.s32 $0x3200;
	v3 =	vadd.f32 v3, v5;
	v5 =	vld [tilespmem:s14+$0x0];
	(v2sf) =	vpush v7, $0x1  }
0x99: {  	[tilespmem:s1+$0xFFFFFF20] =	vst v0;
	v2 =	vadd.f32 v2, v4;
	(v2sf) =	vpush v7, $0x2  }
0x9a: {  	v1 =	vadd.f32 v6, v1;
	v0 =	vld [tilespmem:s20+$0x50];
	[dreg:$0x1b] =	wrdreg s20;
	(v2sf) =	vpush v7, $0x3  }
0x9b: {  	v6 =	vld [tilespmem:s13+$0x30];
	v2 =	vadd.f32 v2, v3;
	(v2sf) =	vpush v7, $0x4  }
0x9c: {  	v8 =	vld [tilespmem:s12+$0x70];
	(v2sf) =	vpush v7, $0x5  }
0x9d: {  	v9 =	vld [tilespmem:s10+$0x70];
	v1 =	vadd.f32 v2, v1;
	v2 =	vshll.u32 v5, $0x7;
	(v2sf) =	vpush v7, $0x6  }
0x9e: {  	v4 =	vld [tilespmem:s14+$0x10];
	(v2sf) =	vpush v2, $0x0  }
0x9f: {  	v16 =	vld [tilespmem:s7+$0x70];
	v0 =	vadd.f32 v1, v0;
	(v2sf) =	vpush v2, $0x1  }
0xa0: {  	v3 =	vld [tilespmem:s11+$0x70];
	(v2sf) =	vpush v2, $0x2  }
0xa1: {  	v5 =	vld [tilespmem:s9+$0x70];
	[tilespmem:s1+$0x90] =	vst v0;
	(v2sf) =	vpush v2, $0x3  }
0xa2: {  	v0 =	vld [tilespmem:s24+$0x20];
	(v2sf) =	vpush v2, $0x4  }
0xa3: {  	v10 =	vld [tilespmem:s22+$0x60];
	(v2sf) =	vpush v2, $0x5  }
0xa4: {  	v11 =	vld [tilespmem:s23+$0x60];
	(v2sf) =	vpush v7, $0x7  }
0xa5: {  	v51 =	vld [tilespmem:s21+$0x60];
	(v2sf) =	vpush v2, $0x6  }
0xa6: {  	v13 =	vld [tilespmem:s17+$0x60];
	s1 =	spop (v2sf);
	(v2sf) =	vpush v2, $0x7  }
0xa7: {  	v4 =	vshll.u32 v4, $0x7;
	v14 =	vld [tilespmem:s5+$0x60];
	s16 =	spop (v2sf);
	(v2sf) =	vpush v2, $0x8  }
0xa8: {  	v15 =	vld [tilespmem:s30+$0x60];
	s19 =	spop (v2sf);
	(v2sf) =	vpush v4, $0x0  }
0xa9: {  	v2 =	vld [tilespmem:s18+$0x60];
	s17 =	spop (v2sf)  }
0xaa: {  	v1 =	vld [tilespmem:s8+$0x70];
	(v2sf) =	vpush v7, $0x8;
	s18 =	spop (v2sf)  }
0xab: {  	v17 =	vld [tilespmem:s20+$0x60];
	s15 =	spop (v2sf)  }
0xac: {  	v0 =	vadd.f32 v10, v0;
	v10 =	vadd.f32 v51, v11;
	v11 =	vld [tilespmem:s1+$0x0];
	s14 =	spop (v2sf)  }
0xad: {  	v53 =	vld [tilespmem:s16+$0x40];
	s29 =	spop (v2sf)  }
0xae: {  	v52 =	vadd.f32 v14, v13;
	v7 =	vld [tilespmem:s4+$0x70];
	v2 =	vadd.f32 v2, v15;
	s10 =	spop (v2sf)  }
0xaf: {  	v54 =	vld [tilespmem:s19+$0x40];
	s8 =	spop (v2sf)  }
0xb0: {  	v0 =	vadd.f32 v10, v0;
	v10 =	vld [tilespmem:s17+$0x40];
	v2 =	vadd.f32 v2, v52;
	s11 =	spop (v2sf)  }
0xb1: {  	v3 =	vadd.f32 v3, v6;
	v6 =	vld [tilespmem:s18+$0x40];
	s9 =	spop (v2sf)  }
0xb2: {  	v5 =	vadd.f32 v5, v8;
	v8 =	vld [tilespmem:s15+$0x40];
	v0 =	vadd.f32 v2, v0;
	s12 =	spop (v2sf)  }
0xb3: {  	v1 =	vadd.f32 v1, v9;
	v2 =	vadd.f32 v7, v16;
	v7 =	vld [tilespmem:s14+$0x40];
	s20 =	spop (v2sf)  }
0xb4: {  	v0 =	vadd.f32 v0, v17;
	v9 =	vld [tilespmem:s20+$0x40];
	s31 =	spop (v2sf)  }
0xb5: {  	s7 =	simm.s32 $0x3200;
	v3 =	vadd.f32 v5, v3;
	v1 =	vadd.f32 v2, v1;
	s13 =	spop (v2sf)  }
0xb6: {  	v55 =	vld [tilespmem:s2+$0x70];
	[tilespmem:s7+$0xA0] =	vst v0;
	s28 =	spop (v2sf)  }
0xb7: {  	v3 =	vadd.f32 v1, v3;
	v1 =	vld [tilespmem:s22+$0x70];
	s22 =	spop (v2sf)  }
0xb8: {  	v5 =	vadd.f32 v53, v11;
	v10 =	vadd.f32 v10, v54;
	v0 =	vld [tilespmem:s24+$0x30];
	[dreg:$0x12] =	wrdreg s22  }
0xb9: {  	v6 =	vadd.f32 v8, v6;
	s22 =	spop (v2sf);
	v2 =	vld [tilespmem:s23+$0x70];
	v7 =	vadd.f32 v9, v7  }
0xba: {  	v5 =	vadd.f32 v10, v5;
	v11 =	vld [tilespmem:s22+$0x40]  }
0xbb: {  	v9 =	vadd.f32 v3, v55;
	v3 =	vld [tilespmem:s21+$0x70];
	v6 =	vadd.f32 v7, v6  }
0xbc: {  	v8 =	vld [tilespmem:s26+$0x10]  }
0xbd: {  	v19 =	vld [tilespmem:s29+$0x0];
	v5 =	vadd.f32 v6, v5  }
0xbe: {  	v20 =	vld [tilespmem:s10+$0x40];
	[tilespmem:s7+$0xFFFFFF30] =	vst v9  }
0xbf: {  	v21 =	vld [tilespmem:s8+$0x40];
	s23 =	rddreg [dreg:$0x19];
	v5 =	vadd.f32 v5, v11  }
0xc0: {  	s21 =	simm.s32 $0x3400;
	v22 =	vld [tilespmem:s11+$0x40];
	s3 =	rddreg [dreg:$0x4]  }
0xc1: {  	s7 =	smov.u32 s6;
	v9 =	vld [tilespmem:s6+$0x40];
	s6 =	rddreg [dreg:$0xc];
	[tilespmem:s21+$0x0] =	vst v5  }
0xc2: {  	v5 =	vld [tilespmem:s1+$0x10]  }
0xc3: {  	v56 =	vld [tilespmem:s16+$0x50]  }
0xc4: {  	v57 =	vld [tilespmem:s19+$0x50]  }
0xc5: {  	v58 =	vld [tilespmem:s17+$0x50]  }
0xc6: {  	v59 =	vld [tilespmem:s18+$0x50]  }
0xc7: {  	v60 =	vld [tilespmem:s15+$0x50]  }
0xc8: {  	v61 =	vld [tilespmem:s14+$0x50]  }
0xc9: {  	v18 =	vld [tilespmem:s20+$0x50]  }
0xca: {  	v63 =	vld [tilespmem:s9+$0x40]  }
0xcb: {  	v27 =	vld [tilespmem:s12+$0x40]  }
0xcc: {  	v29 =	vld [tilespmem:s31+$0x40]  }
0xcd: {  	v30 =	vld [tilespmem:s13+$0x40];
	v5 =	vadd.f32 v56, v5;
	v62 =	vadd.f32 v58, v57  }
0xce: {  	v35 =	vld [tilespmem:s28+$0x40];
	v24 =	vadd.f32 v60, v59;
	v25 =	vadd.f32 v18, v61  }
0xcf: {  	v26 =	vld [tilespmem:s22+$0x50]  }
0xd0: {  	v7 =	vld [tilespmem:s23+$0x0];
	v5 =	vadd.f32 v62, v5;
	v28 =	vadd.f32 v25, v24  }
0xd1: {  	v6 =	vld [tilespmem:s3+$0x40]  }
0xd2: {  	v10 =	vld [tilespmem:s6+$0x40];
	v5 =	vadd.f32 v28, v5  }
0xd3: {  	v11 =	vld [tilespmem:s25+$0x40];
	s26 =	rddreg [dreg:$0x7]  }
0xd4: {  	s2 =	rddreg [dreg:$0x6];
	v31 =	vld [tilespmem:s26+$0x40];
	v5 =	vadd.f32 v5, v26  }
0xd5: {  	s0 =	rddreg [dreg:$0x9];
	v32 =	vld [tilespmem:s2+$0x40]  }
0xd6: {  	v33 =	vld [tilespmem:s0+$0x40];
	[tilespmem:s21+$0x10] =	vst v5  }
0xd7: {  	v19 =	vadd.f32 v20, v19;
	v34 =	vadd.f32 v22, v21;
	v37 =	vld [tilespmem:s1+$0x20]  }
0xd8: {  	v36 =	vadd.f32 v30, v29;
	v5 =	vadd.f32 v27, v63;
	v38 =	vld [tilespmem:s16+$0x60]  }
0xd9: {  	v40 =	vld [tilespmem:s19+$0x60]  }
0xda: {  	v39 =	vadd.f32 v34, v19;
	v41 =	vld [tilespmem:s17+$0x60];
	v5 =	vadd.f32 v36, v5  }
0xdb: {  	v42 =	vld [tilespmem:s18+$0x60]  }
0xdc: {  	v43 =	vld [tilespmem:s15+$0x60];
	v5 =	vadd.f32 v5, v39  }
0xdd: {  	v44 =	vld [tilespmem:s14+$0x60]  }
0xde: {  	v45 =	vld [tilespmem:s20+$0x60];
	v5 =	vadd.f32 v5, v35  }
0xdf: {  	s4 =	smov.u32 s25;
	s25 =	rddreg [dreg:$0x5];
	v50 =	vld [tilespmem:s22+$0x60]  }
0xe0: {  	v23 =	vld [tilespmem:s25+$0x40];
	[tilespmem:s21+$0xFFFFFF00] =	vst v5  }
0xe1: {  	v24 =	vld [tilespmem:s29+$0x10]  }
0xe2: {  	v5 =	vadd.f32 v6, v7;
	v6 =	vadd.f32 v10, v9;
	v9 =	vld [tilespmem:s10+$0x50]  }
0xe3: {  	v13 =	vadd.f32 v41, v40;
	v47 =	vadd.f32 v43, v42;
	v10 =	vld [tilespmem:s8+$0x50]  }
0xe4: {  	v48 =	vadd.f32 v45, v44;
	v7 =	vadd.f32 v38, v37;
	v46 =	vld [tilespmem:s11+$0x50]  }
0xe5: {  	v11 =	vadd.f32 v31, v11;
	v49 =	vadd.f32 v33, v32;
	v51 =	vld [tilespmem:s9+$0x50]  }
0xe6: {  	v52 =	vadd.f32 v48, v47;
	v53 =	vld [tilespmem:s31+$0x50];
	v7 =	vadd.f32 v13, v7  }
0xe7: {  	v55 =	vld [tilespmem:s13+$0x50];
	v5 =	vadd.f32 v6, v5;
	v6 =	vadd.f32 v49, v11  }
0xe8: {  	v56 =	vld [tilespmem:s28+$0x50];
	v7 =	vadd.f32 v52, v7  }
0xe9: {  	s24 =	rddreg [dreg:$0x1c];
	v11 =	vld [tilespmem:s12+$0x50];
	v54 =	vadd.f32 v6, v5  }
0xea: {  	v5 =	vld [tilespmem:s24+$0x70];
	v16 =	vadd.f32 v7, v50  }
0xeb: {  	v6 =	vld [tilespmem:s5+$0x70];
	v13 =	vadd.f32 v54, v23  }
0xec: {  	s24 =	simm.s32 $0x3200;
	v7 =	vld [tilespmem:s30+$0x70];
	[tilespmem:s21+$0x20] =	vst v16  }
0xed: {  	v9 =	vadd.f32 v9, v24;
	v10 =	vadd.f32 v46, v10;
	[tilespmem:s24+$0xFFFFFF80] =	vst v13;
	v16 =	vld [tilespmem:s1+$0x30]  }
0xee: {  	v12 =	vadd.f32 v55, v53;
	v11 =	vadd.f32 v11, v51;
	v13 =	vld [tilespmem:s23+$0x10]  }
0xef: {  	v57 =	vld [tilespmem:s3+$0x50]  }
0xf0: {  	v9 =	vadd.f32 v10, v9;
	v10 =	vadd.f32 v12, v11;
	v11 =	vld [tilespmem:s7+$0x50]  }
0xf1: {  	v58 =	vld [tilespmem:s6+$0x50]  }
0xf2: {  	v59 =	vld [tilespmem:s26+$0x50]  }
0xf3: {  	v60 =	vld [tilespmem:s2+$0x50];
	v9 =	vadd.f32 v10, v9  }
0xf4: {  	v61 =	vld [tilespmem:s0+$0x50]  }
0xf5: {  	(v2sf) =	vpush v4, $0x1;
	v29 =	vld [tilespmem:s16+$0x70];
	v9 =	vadd.f32 v9, v56  }
0xf6: {  	(v2sf) =	vpush v4, $0x2;
	v30 =	vld [tilespmem:s19+$0x70]  }
0xf7: {  	(v2sf) =	vpush v4, $0x3;
	v10 =	vld [tilespmem:s4+$0x50];
	[tilespmem:s21+$0xFFFFFF10] =	vst v9  }
0xf8: {  	(v2sf) =	vpush v4, $0x4;
	v9 =	vld [tilespmem:s29+$0x20]  }
0xf9: {  	(v2sf) =	vpush v4, $0x5;
	v62 =	vld [tilespmem:s10+$0x60]  }
0xfa: {  	(v2sf) =	vpush v4, $0x6;
	v63 =	vld [tilespmem:s8+$0x60]  }
0xfb: {  	(v2sf) =	vpush v4, $0x7;
	v24 =	vld [tilespmem:s11+$0x60]  }
0xfc: {  	(v2sf) =	vpush v4, $0x8;
	v25 =	vld [tilespmem:s9+$0x60]  }
0xfd: {  	v13 =	vadd.f32 v57, v13;
	v11 =	vadd.f32 v58, v11;
	v26 =	vld [tilespmem:s12+$0x60]  }
0xfe: {  	v8 =	vshll.u32 v8, $0x7;
	v14 =	vadd.f32 v61, v60;
	v10 =	vadd.f32 v59, v10;
	v27 =	vld [tilespmem:s31+$0x60]  }
0xff: {  	(v2sf) =	vpush v8, $0x0;
	v28 =	vld [tilespmem:s13+$0x60]  }
0x100: {  	v32 =	vld [tilespmem:s18+$0x70];
	v11 =	vadd.f32 v11, v13;
	v10 =	vadd.f32 v14, v10  }
0x101: {  	(v2sf) =	vpush v8, $0x1;
	v34 =	vld [tilespmem:s15+$0x70]  }
0x102: {  	(v2sf) =	vpush v8, $0x2;
	v4 =	vadd.f32 v10, v11;
	v10 =	vld [tilespmem:s25+$0x50]  }
0x103: {  	v35 =	vld [tilespmem:s20+$0x70];
	v9 =	vadd.f32 v62, v9;
	v31 =	vadd.f32 v24, v63  }
0x104: {  	v41 =	vld [tilespmem:s22+$0x70];
	v12 =	vadd.f32 v26, v25;
	v13 =	vadd.f32 v28, v27  }
0x105: {  	(v2sf) =	vpush v8, $0x3;
	v33 =	vld [tilespmem:s28+$0x60]  }
0x106: {  	v11 =	vld [tilespmem:s17+$0x70];
	v9 =	vadd.f32 v31, v9;
	v12 =	vadd.f32 v13, v12  }
0x107: {  	(v2sf) =	vpush v8, $0x4;
	s30 =	smov.u32 s23;
	s23 =	smov.u32 s6;
	s18 =	rddreg [dreg:$0x1a];
	v4 =	vadd.f32 v4, v10;
	v10 =	vld [tilespmem:s14+$0x70]  }
0x108: {  	(v2sf) =	vpush v8, $0x5;
	s24 =	simm.s32 $0x3200;
	s20 =	smov.u32 s23;
	s23 =	rddreg [dreg:$0x1b];
	v36 =	vld [tilespmem:s18+$0x70];
	v9 =	vadd.f32 v12, v9  }
0x109: {  	(v2sf) =	vpush v8, $0x6;
	v37 =	vld [tilespmem:s23+$0x70];
	s17 =	rddreg [dreg:$0x12];
	[tilespmem:s24+$0xFFFFFF90] =	vst v4  }
0x10a: {  	v40 =	vadd.f32 v34, v32;
	v4 =	vadd.f32 v9, v33;
	v9 =	vld [tilespmem:s30+$0x20]  }
0x10b: {  	s19 =	smov.u32 s7;
	s23 =	spop (v2sf);
	(v2sf) =	vpush v8, $0x7;
	v11 =	vadd.f32 v11, v30;
	v38 =	vld [tilespmem:s3+$0x60]  }
0x10c: {  	v54 =	vld [tilespmem:s19+$0x60];
	[tilespmem:s21+$0xFFFFFF20] =	vst v4;
	v4 =	vadd.f32 v29, v16;
	v10 =	vadd.f32 v35, v10  }
0x10d: {  	v39 =	vld [tilespmem:s29+$0x30];
	s29 =	spop (v2sf)  }
0x10e: {  	s6 =	smov.u32 s26;
	s1 =	smov.u32 s2;
	v42 =	vld [tilespmem:s10+$0x70];
	s26 =	spop (v2sf);
	v4 =	vadd.f32 v11, v4;
	v10 =	vadd.f32 v10, v40  }
0x10f: {  	s5 =	smov.u32 s12;
	s14 =	smov.u32 s1;
	v43 =	vld [tilespmem:s11+$0x70];
	s1 =	spop (v2sf)  }
0x110: {  	v44 =	vld [tilespmem:s5+$0x70];
	s18 =	spop (v2sf);
	v4 =	vadd.f32 v10, v4  }
0x111: {  	(v2sf) =	vpush v8, $0x8;
	v8 =	vld [tilespmem:s31+$0x70];
	s22 =	spop (v2sf)  }
0x112: {  	s12 =	smov.u32 s25;
	v45 =	vld [tilespmem:s13+$0x70];
	s25 =	spop (v2sf);
	v4 =	vadd.f32 v4, v41  }
0x113: {  	v11 =	vld [tilespmem:s8+$0x70];
	s24 =	spop (v2sf)  }
0x114: {  	v10 =	vld [tilespmem:s9+$0x70];
	s3 =	spop (v2sf);
	[tilespmem:s21+$0x30] =	vst v4  }
0x115: {  	s13 =	smov.u32 s6;
	s6 =	spop (v2sf);
	v4 =	vld [tilespmem:s3+$0x0]  }
0x116: {  	s7 =	spop (v2sf);
	v46 =	vld [tilespmem:s6+$0x40]  }
0x117: {  	s2 =	spop (v2sf);
	v47 =	vld [tilespmem:s7+$0x40]  }
0x118: {  	s16 =	smov.u32 s4;
	v48 =	vld [tilespmem:s2+$0x40];
	s4 =	spop (v2sf)  }
0x119: {  	s5 =	spop (v2sf);
	v50 =	vld [tilespmem:s4+$0x40]  }
0x11a: {  	v14 =	vadd.f32 v42, v39;
	v8 =	vadd.f32 v45, v8;
	v51 =	vld [tilespmem:s5+$0x40];
	s10 =	spop (v2sf)  }
0x11b: {  	v11 =	vadd.f32 v43, v11;
	v10 =	vadd.f32 v44, v10;
	v52 =	vld [tilespmem:s10+$0x40];
	s11 =	spop (v2sf)  }
0x11c: {  	v53 =	vld [tilespmem:s11+$0x40]  }
0x11d: {  	v49 =	vld [tilespmem:s28+$0x70];
	v11 =	vadd.f32 v11, v14;
	v8 =	vadd.f32 v8, v10  }
0x11e: {  	s15 =	smov.u32 s0;
	v57 =	vld [tilespmem:s14+$0x60]  }
0x11f: {  	v59 =	vld [tilespmem:s15+$0x60];
	v8 =	vadd.f32 v8, v11  }
0x120: {  	v56 =	vld [tilespmem:s13+$0x60];
	v4 =	vadd.f32 v46, v4;
	v55 =	vadd.f32 v48, v47  }
0x121: {  	v10 =	vld [tilespmem:s20+$0x60];
	s9 =	spop (v2sf);
	v16 =	vadd.f32 v51, v50;
	v12 =	vadd.f32 v53, v52  }
0x122: {  	v8 =	vadd.f32 v8, v49;
	v58 =	vld [tilespmem:s9+$0x40]  }
0x123: {  	v11 =	vld [tilespmem:s16+$0x60];
	v4 =	vadd.f32 v55, v4;
	v12 =	vadd.f32 v12, v16  }
0x124: {  	[tilespmem:s21+$0xFFFFFF30] =	vst v8;
	v8 =	vld [tilespmem:s12+$0x60]  }
0x125: {  	v1 =	vadd.f32 v1, v0;
	v60 =	vld [tilespmem:s17+$0x0];
	v0 =	vadd.f32 v12, v4  }
0x126: {  	v2 =	vadd.f32 v3, v2;
	v3 =	vadd.f32 v6, v5;
	v61 =	vld [tilespmem:s23+$0x40]  }
0x127: {  	v6 =	vadd.f32 v38, v9;
	v62 =	vld [tilespmem:s29+$0x40];
	v5 =	vadd.f32 v0, v58  }
0x128: {  	v9 =	vld [tilespmem:s26+$0x40];
	v4 =	vadd.f32 v36, v7;
	v7 =	vadd.f32 v10, v54  }
0x129: {  	v10 =	vadd.f32 v56, v11;
	v11 =	vadd.f32 v59, v57;
	v0 =	vld [tilespmem:s1+$0x40];
	[tilespmem:s21+$0x80] =	vst v5  }
0x12a: {  	v1 =	vadd.f32 v2, v1;
	v6 =	vadd.f32 v7, v6;
	v2 =	vld [tilespmem:s3+$0x10]  }
0x12b: {  	v7 =	vadd.f32 v11, v10;
	v5 =	vadd.f32 v4, v3;
	v3 =	vld [tilespmem:s6+$0x50]  }
0x12c: {  	v4 =	vld [tilespmem:s7+$0x50]  }
0x12d: {  	v7 =	vadd.f32 v7, v6;
	v6 =	vld [tilespmem:s2+$0x50]  }
0x12e: {  	v63 =	vadd.f32 v9, v62;
	v9 =	vld [tilespmem:s11+$0x50];
	v1 =	vadd.f32 v5, v1  }
0x12f: {  	v5 =	vld [tilespmem:s4+$0x50];
	v10 =	vadd.f32 v7, v8  }
0x130: {  	s0 =	smov.u32 s17;
	s31 =	smov.u32 s26;
	s26 =	simm.s32 $0x3200;
	v11 =	vadd.f32 v61, v60;
	v7 =	vld [tilespmem:s5+$0x50];
	v1 =	vadd.f32 v1, v37  }
0x131: {  	s15 =	simm.s32 $0x3200;
	s28 =	smov.u32 s29;
	s8 =	simm.s32 $0x80;
	v8 =	vld [tilespmem:s10+$0x50];
	[tilespmem:s26+$0xFFFFFFA0] =	vst v10  }
0x132: {  	s29 =	smov.u32 s1;
	s1 =	simm.s32 $0x2;
	v10 =	vld [tilespmem:s18+$0x40];
	[tilespmem:s26+$0xB0] =	vst v1;
	v1 =	vadd.f32 v63, v11;
	s26 =	simm.s32 $0x3400  }
.LBB2_2:
0x133: {  	[dreg:$0x11] =	wrdreg s18  }
0x134: {  	[dreg:$0x7] =	wrdreg s13;
	s17 =	sand.u32 $0xF80, s8;
	s18 =	sadd.s32 $0x20, s8;
	v11 =	vld [tilespmem:s22+$0x40]  }
0x135: {  	[dreg:$0x6] =	wrdreg s14;
	v12 =	vld [tilespmem:s25+$0x40];
	s13 =	sadd.s32 $0x2100, s17;
	s14 =	sand.u32 $0x60, s18  }
0x136: {  	v13 =	vld [tilespmem:s24+$0x40];
	s18 =	sor.u32 s14, s13;
	v2 =	vadd.f32 v3, v2;
	v3 =	vadd.f32 v6, v4  }
0x137: {  	[dreg:$0x8] =	wrdreg s15;
	s15 =	sand.u32 $0x40, s8;
	v4 =	vld [tilespmem:s18+$0x0];
	v5 =	vadd.f32 v7, v5;
	v6 =	vadd.f32 v9, v8  }
0x138: {  	[dreg:$0x5] =	wrdreg s12;
	s12 =	sor.u32 s15, s13;
	v7 =	vld [tilespmem:s9+$0x50]  }
0x139: {  	v8 =	vld [tilespmem:s12+$0x0];
	v2 =	vadd.f32 v3, v2;
	v3 =	vadd.f32 v6, v5  }
0x13a: {  	v0 =	vadd.f32 v10, v0;
	v9 =	vld [tilespmem:s20+$0x70]  }
0x13b: {  	v5 =	vld [tilespmem:s12+$0x10];
	v6 =	vadd.f32 v12, v11;
	v2 =	vadd.f32 v3, v2  }
0x13c: {  	s14 =	rddreg [dreg:$0x4];
	v3 =	vld [tilespmem:s30+$0x30]  }
0x13d: {  	v0 =	vadd.f32 v6, v0;
	v6 =	vld [tilespmem:s14+$0x70];
	v4 =	vshll.u32 v4, $0x7;
	v2 =	vadd.f32 v2, v7  }
0x13e: {  	v7 =	vld [tilespmem:s19+$0x70];
	(v2sf) =	vpush v4, $0x0  }
0x13f: {  	v1 =	vadd.f32 v0, v1;
	v0 =	vld [tilespmem:s16+$0x70];
	(v2sf) =	vpush v4, $0x1;
	[tilespmem:s21+$0x90] =	vst v2  }
0x140: {  	(v2sf) =	vpush v4, $0x2;
	v2 =	vld [tilespmem:s3+$0x20]  }
0x141: {  	(v2sf) =	vpush v4, $0x3;
	v10 =	vld [tilespmem:s6+$0x60]  }
0x142: {  	v3 =	vadd.f32 v6, v3;
	v6 =	vld [tilespmem:s7+$0x60];
	(v2sf) =	vpush v4, $0x4  }
0x143: {  	v11 =	vld [tilespmem:s2+$0x60];
	(v2sf) =	vpush v4, $0x5  }
0x144: {  	v8 =	vshll.u32 v8, $0x7;
	v1 =	vadd.f32 v1, v13;
	v25 =	vld [tilespmem:s10+$0x60];
	(v2sf) =	vpush v4, $0x6  }
0x145: {  	v26 =	vld [tilespmem:s11+$0x60];
	(v2sf) =	vpush v8, $0x0  }
0x146: {  	[tilespmem:s21+$0xFFFFFF80] =	vst v1;
	v1 =	vadd.f32 v9, v7;
	v7 =	vld [tilespmem:s4+$0x60];
	(v2sf) =	vpush v8, $0x1  }
0x147: {  	s15 =	smov.u32 s23;
	s30 =	smov.u32 s0;
	v9 =	vld [tilespmem:s5+$0x60];
	(v2sf) =	vpush v8, $0x2  }
0x148: {  	s17 =	smov.u32 s15;
	v14 =	vld [tilespmem:s30+$0x10];
	(v2sf) =	vpush v8, $0x3  }
0x149: {  	s23 =	smov.u32 s28;
	v15 =	vld [tilespmem:s17+$0x50];
	(v2sf) =	vpush v8, $0x4  }
0x14a: {  	s19 =	smov.u32 s31;
	v16 =	vld [tilespmem:s23+$0x50];
	v1 =	vadd.f32 v1, v3;
	(v2sf) =	vpush v8, $0x5  }
0x14b: {  	s20 =	smov.u32 s29;
	v17 =	vld [tilespmem:s19+$0x50];
	v2 =	vadd.f32 v10, v2;
	v6 =	vadd.f32 v11, v6  }
0x14c: {  	v3 =	vld [tilespmem:s20+$0x50];
	v7 =	vadd.f32 v9, v7;
	v9 =	vadd.f32 v26, v25  }
0x14d: {  	v10 =	vld [tilespmem:s9+$0x60];
	v2 =	vadd.f32 v6, v2;
	s17 =	spop (v2sf)  }
0x14e: {  	[dreg:$0xc] =	wrdreg s19;
	v6 =	vadd.f32 v9, v7;
	(v2sf) =	vpush v4, $0x7;
	v11 =	vld [tilespmem:s17+$0x0];
	s19 =	spop (v2sf)  }
0x14f: {  	[dreg:$0xb] =	wrdreg s20;
	(v2sf) =	vpush v8, $0x6;
	v7 =	vld [tilespmem:s19+$0x40];
	s20 =	spop (v2sf)  }
0x150: {  	s28 =	smov.u32 s24;
	s24 =	smov.u32 s22;
	v2 =	vadd.f32 v6, v2;
	(v2sf) =	vpush v8, $0x7;
	v27 =	vld [tilespmem:s20+$0x40];
	s22 =	spop (v2sf)  }
0x151: {  	v5 =	vshll.u32 v5, $0x7;
	v9 =	vadd.f32 v15, v14;
	(v2sf) =	vpush v8, $0x8;
	v6 =	vld [tilespmem:s22+$0x40];
	s29 =	spop (v2sf)  }
0x152: {  	v10 =	vadd.f32 v2, v10;
	(v2sf) =	vpush v5, $0x0;
	v28 =	vld [tilespmem:s29+$0x40];
	s16 =	spop (v2sf)  }
0x153: {  	v8 =	vadd.f32 v17, v16;
	v29 =	vld [tilespmem:s16+$0x40];
	s12 =	spop (v2sf);
	(v2sf) =	vpush v4, $0x8  }
0x154: {  	[dreg:$0x4] =	wrdreg s15;
	v4 =	vld [tilespmem:s12+$0x40];
	s15 =	spop (v2sf);
	(v2sf) =	vpush v5, $0x1;
	[tilespmem:s21+$0xA0] =	vst v10  }
0x155: {  	v2 =	vadd.f32 v8, v9;
	s14 =	spop (v2sf);
	(v2sf) =	vpush v5, $0x2;
	v8 =	vld [tilespmem:s3+$0x30]  }
0x156: {  	v9 =	vld [tilespmem:s6+$0x70];
	s3 =	spop (v2sf);
	(v2sf) =	vpush v5, $0x3  }
0x157: {  	v10 =	vld [tilespmem:s7+$0x70];
	s6 =	spop (v2sf);
	(v2sf) =	vpush v5, $0x4  }
0x158: {  	v30 =	vld [tilespmem:s2+$0x70];
	s7 =	spop (v2sf);
	(v2sf) =	vpush v5, $0x5  }
0x159: {  	v31 =	vld [tilespmem:s4+$0x70];
	s2 =	spop (v2sf);
	(v2sf) =	vpush v5, $0x6  }
0x15a: {  	v32 =	vld [tilespmem:s5+$0x70];
	(v2sf) =	vpush v5, $0x7  }
0x15b: {  	v18 =	vld [tilespmem:s11+$0x70]  }
0x15c: {  	v20 =	vld [tilespmem:s15+$0x0]  }
0x15d: {  	(v2sf) =	vpush v5, $0x8;
	v5 =	vld [tilespmem:s10+$0x70];
	s10 =	spop (v2sf)  }
0x15e: {  	v19 =	vld [tilespmem:s10+$0x40];
	s4 =	spop (v2sf)  }
0x15f: {  	v7 =	vadd.f32 v7, v11;
	v34 =	vld [tilespmem:s9+$0x70];
	s5 =	spop (v2sf)  }
0x160: {  	v21 =	vld [tilespmem:s14+$0x40];
	v6 =	vadd.f32 v6, v27;
	v13 =	vadd.f32 v29, v28;
	s13 =	spop (v2sf)  }
0x161: {  	v11 =	vld [tilespmem:s3+$0x40];
	v8 =	vadd.f32 v9, v8;
	v9 =	vadd.f32 v30, v10;
	s11 =	spop (v2sf)  }
0x162: {  	v10 =	vld [tilespmem:s6+$0x40];
	v33 =	vadd.f32 v32, v31;
	v5 =	vadd.f32 v18, v5;
	[dreg:$0x12] =	wrdreg s11;
	s11 =	spop (v2sf)  }
0x163: {  	v6 =	vadd.f32 v6, v7;
	v7 =	vld [tilespmem:s2+$0x40];
	v4 =	vadd.f32 v19, v4;
	s9 =	spop (v2sf)  }
0x164: {  	v8 =	vadd.f32 v9, v8;
	v9 =	vld [tilespmem:s7+$0x40];
	v5 =	vadd.f32 v5, v33;
	s31 =	spop (v2sf)  }
0x165: {  	v35 =	vld [tilespmem:s11+$0x40];
	[dreg:$0x13] =	wrdreg s9;
	v4 =	vadd.f32 v4, v13;
	s9 =	spop (v2sf)  }
0x166: {  	v5 =	vadd.f32 v5, v8;
	v8 =	vld [tilespmem:s4+$0x40];
	s0 =	spop (v2sf)  }
0x167: {  	v4 =	vadd.f32 v4, v6;
	v6 =	vld [tilespmem:s5+$0x40];
	[dreg:$0xa] =	wrdreg s0;
	s0 =	spop (v2sf)  }
0x168: {  	v5 =	vadd.f32 v5, v34;
	[dreg:$0x10] =	wrdreg s0;
	s0 =	spop (v2sf)  }
0x169: {  	v40 =	vld [tilespmem:s24+$0x50];
	[dreg:$0xf] =	wrdreg s0;
	s0 =	spop (v2sf)  }
0x16a: {  	v10 =	vadd.f32 v10, v11;
	v11 =	vld [tilespmem:s13+$0x40];
	v37 =	vadd.f32 v4, v35;
	[tilespmem:s26+$0xB0] =	vst v5;
	[dreg:$0xd] =	wrdreg s0  }
0x16b: {  	s21 =	sadd.s32 $0x200, s21;
	v36 =	vadd.f32 v21, v20;
	v4 =	vld [tilespmem:s18+$0x10];
	s0 =	rddreg [dreg:$0x11]  }
0x16c: {  	v5 =	vadd.f32 v7, v9;
	[tilespmem:s21+$0x0] =	vst v37;
	v38 =	vld [tilespmem:s0+$0x50];
	v6 =	vadd.f32 v6, v8  }
0x16d: {  	v7 =	vld [tilespmem:s17+$0x10]  }
0x16e: {  	v10 =	vadd.f32 v10, v36;
	v8 =	vld [tilespmem:s19+$0x50];
	v5 =	vadd.f32 v6, v5  }
0x16f: {  	v9 =	vld [tilespmem:s20+$0x50]  }
0x170: {  	v12 =	vld [tilespmem:s29+$0x50];
	v5 =	vadd.f32 v5, v10  }
0x171: {  	v39 =	vld [tilespmem:s12+$0x50]  }
0x172: {  	v6 =	vld [tilespmem:s22+$0x50];
	v5 =	vadd.f32 v5, v11  }
0x173: {  	v10 =	vld [tilespmem:s16+$0x50]  }
0x174: {  	v11 =	vld [tilespmem:s10+$0x50];
	[tilespmem:s21+$0xFFFFFF00] =	vst v5  }
0x175: {  	v5 =	vld [tilespmem:s25+$0x50]  }
0x176: {  	v41 =	vld [tilespmem:s15+$0x10]  }
0x177: {  	v42 =	vld [tilespmem:s14+$0x50]  }
0x178: {  	v7 =	vadd.f32 v8, v7;
	v6 =	vadd.f32 v6, v9;
	v8 =	vld [tilespmem:s3+$0x50]  }
0x179: {  	v9 =	vadd.f32 v10, v12;
	v43 =	vld [tilespmem:s6+$0x50];
	v10 =	vadd.f32 v11, v39  }
0x17a: {  	v11 =	vld [tilespmem:s11+$0x50]  }
0x17b: {  	v6 =	vadd.f32 v6, v7;
	v7 =	vadd.f32 v10, v9;
	v9 =	vld [tilespmem:s7+$0x50]  }
0x17c: {  	v3 =	vadd.f32 v38, v3;
	v10 =	vld [tilespmem:s2+$0x50];
	v5 =	vadd.f32 v5, v40  }
0x17d: {  	v6 =	vadd.f32 v7, v6;
	v7 =	vld [tilespmem:s4+$0x50]  }
0x17e: {  	v3 =	vadd.f32 v5, v3;
	v5 =	vld [tilespmem:s5+$0x50]  }
0x17f: {  	v6 =	vadd.f32 v6, v11  }
0x180: {  	v44 =	vadd.f32 v42, v41;
	v8 =	vadd.f32 v43, v8;
	v11 =	vld [tilespmem:s13+$0x50]  }
0x181: {  	v2 =	vadd.f32 v3, v2;
	v3 =	vld [tilespmem:s28+$0x50];
	[tilespmem:s21+$0x10] =	vst v6  }
0x182: {  	v6 =	vadd.f32 v8, v44;
	v8 =	vadd.f32 v10, v9;
	v9 =	vld [tilespmem:s17+$0x20]  }
0x183: {  	v10 =	vld [tilespmem:s19+$0x60];
	v5 =	vadd.f32 v5, v7  }
0x184: {  	v45 =	vld [tilespmem:s22+$0x60]  }
0x185: {  	v7 =	vld [tilespmem:s20+$0x60];
	v5 =	vadd.f32 v5, v8  }
0x186: {  	v8 =	vld [tilespmem:s29+$0x60]  }
0x187: {  	s18 =	spop (v2sf);
	v2 =	vadd.f32 v2, v3;
	v3 =	vld [tilespmem:s16+$0x60];
	v5 =	vadd.f32 v5, v6  }
0x188: {  	[dreg:$0xe] =	wrdreg s18;
	v6 =	vld [tilespmem:s12+$0x60]  }
0x189: {  	s18 =	smov.u32 s28;
	s28 =	rddreg [dreg:$0x4];
	[tilespmem:s26+$0xFFFFFF90] =	vst v2;
	v2 =	vld [tilespmem:s10+$0x60];
	v5 =	vadd.f32 v5, v11  }
0x18a: {  	v46 =	vld [tilespmem:s28+$0x60]  }
0x18b: {  	v11 =	vld [tilespmem:s30+$0x20];
	[tilespmem:s21+$0xFFFFFF10] =	vst v5  }
0x18c: {  	v5 =	vld [tilespmem:s23+$0x60]  }
0x18d: {  	v9 =	vadd.f32 v10, v9;
	v7 =	vadd.f32 v45, v7;
	v47 =	vld [tilespmem:s15+$0x20]  }
0x18e: {  	v3 =	vadd.f32 v3, v8;
	v10 =	vld [tilespmem:s14+$0x60];
	v2 =	vadd.f32 v2, v6  }
0x18f: {  	v6 =	vld [tilespmem:s11+$0x60]  }
0x190: {  	v7 =	vadd.f32 v7, v9;
	v8 =	vld [tilespmem:s3+$0x60];
	v2 =	vadd.f32 v2, v3  }
0x191: {  	v48 =	vld [tilespmem:s4+$0x60]  }
0x192: {  	v3 =	vld [tilespmem:s6+$0x60];
	v2 =	vadd.f32 v2, v7  }
0x193: {  	v49 =	vld [tilespmem:s13+$0x60]  }
0x194: {  	v9 =	vadd.f32 v46, v11;
	v11 =	vld [tilespmem:s7+$0x60];
	v2 =	vadd.f32 v2, v6  }
0x195: {  	v7 =	vld [tilespmem:s2+$0x60]  }
0x196: {  	v6 =	vld [tilespmem:s5+$0x60];
	[tilespmem:s21+$0x20] =	vst v2  }
0x197: {  	v10 =	vadd.f32 v10, v47;
	v3 =	vadd.f32 v3, v8;
	v2 =	vld [tilespmem:s17+$0x30]  }
0x198: {  	v8 =	vld [tilespmem:s19+$0x70]  }
0x199: {  	v3 =	vadd.f32 v3, v10;
	v10 =	vld [tilespmem:s20+$0x70]  }
0x19a: {  	v4 =	vshll.u32 v4, $0x7;
	v7 =	vadd.f32 v7, v11;
	v11 =	vld [tilespmem:s22+$0x70]  }
0x19b: {  	(v2sf) =	vpush v4, $0x0;
	v50 =	vld [tilespmem:s29+$0x70];
	v6 =	vadd.f32 v6, v48  }
0x19c: {  	(v2sf) =	vpush v4, $0x1;
	s20 =	rddreg [dreg:$0xc];
	v51 =	vld [tilespmem:s12+$0x70]  }
0x19d: {  	(v2sf) =	vpush v4, $0x2;
	v52 =	vld [tilespmem:s20+$0x60];
	v6 =	vadd.f32 v6, v7  }
0x19e: {  	(v2sf) =	vpush v4, $0x3;
	v7 =	vld [tilespmem:s16+$0x70]  }
0x19f: {  	(v2sf) =	vpush v4, $0x4;
	v3 =	vadd.f32 v6, v3;
	v6 =	vld [tilespmem:s10+$0x70]  }
0x1a0: {  	(v2sf) =	vpush v4, $0x5  }
0x1a1: {  	(v2sf) =	vpush v4, $0x6;
	v54 =	vld [tilespmem:s0+$0x60];
	s16 =	rddreg [dreg:$0xb];
	v3 =	vadd.f32 v3, v49  }
0x1a2: {  	(v2sf) =	vpush v4, $0x7;
	v53 =	vld [tilespmem:s16+$0x60];
	v2 =	vadd.f32 v8, v2  }
0x1a3: {  	v5 =	vadd.f32 v52, v5;
	[tilespmem:s21+$0xFFFFFF20] =	vst v3;
	v3 =	vadd.f32 v11, v10;
	v11 =	vld [tilespmem:s11+$0x70]  }
0x1a4: {  	v7 =	vadd.f32 v7, v50;
	v10 =	vld [tilespmem:s15+$0x30];
	v6 =	vadd.f32 v6, v51  }
0x1a5: {  	v5 =	vadd.f32 v5, v9;
	v55 =	vld [tilespmem:s14+$0x70]  }
0x1a6: {  	v9 =	vld [tilespmem:s6+$0x70];
	v2 =	vadd.f32 v3, v2;
	v3 =	vadd.f32 v6, v7  }
0x1a7: {  	v56 =	vld [tilespmem:s2+$0x70]  }
0x1a8: {  	v6 =	vld [tilespmem:s3+$0x70];
	v2 =	vadd.f32 v3, v2  }
0x1a9: {  	v60 =	vld [tilespmem:s13+$0x70]  }
0x1aa: {  	s3 =	spop (v2sf);
	(v2sf) =	vpush v4, $0x8;
	v4 =	vld [tilespmem:s4+$0x70];
	v2 =	vadd.f32 v2, v11  }
0x1ab: {  	s6 =	spop (v2sf);
	v3 =	vld [tilespmem:s7+$0x70]  }
0x1ac: {  	s7 =	spop (v2sf);
	v11 =	vld [tilespmem:s5+$0x70];
	[tilespmem:s21+$0x30] =	vst v2  }
0x1ad: {  	s2 =	spop (v2sf);
	v2 =	vadd.f32 v9, v6;
	v6 =	vld [tilespmem:s3+$0x0]  }
0x1ae: {  	s4 =	spop (v2sf);
	v9 =	vld [tilespmem:s6+$0x40]  }
0x1af: {  	v10 =	vadd.f32 v55, v10;
	s5 =	spop (v2sf);
	v57 =	vld [tilespmem:s2+$0x40]  }
0x1b0: {  	s10 =	spop (v2sf);
	v58 =	vld [tilespmem:s5+$0x40]  }
0x1b1: {  	s11 =	spop (v2sf);
	v2 =	vadd.f32 v2, v10;
	v10 =	vld [tilespmem:s7+$0x40]  }
0x1b2: {  	v3 =	vadd.f32 v56, v3;
	v59 =	vld [tilespmem:s11+$0x40];
	v4 =	vadd.f32 v11, v4  }
0x1b3: {  	v11 =	vld [tilespmem:s4+$0x40]  }
0x1b4: {  	v3 =	vadd.f32 v4, v3;
	v4 =	vld [tilespmem:s10+$0x40]  }
0x1b5: {  	v8 =	vld [tilespmem:s24+$0x60]  }
0x1b6: {  	v61 =	vld [tilespmem:s18+$0x60]  }
0x1b7: {  	s13 =	smov.u32 s0;
	s0 =	rddreg [dreg:$0x6];
	v6 =	vadd.f32 v9, v6;
	v2 =	vadd.f32 v3, v2;
	v3 =	vld [tilespmem:s25+$0x60]  }
0x1b8: {  	s15 =	smov.u32 s18;
	s18 =	rddreg [dreg:$0x7];
	v62 =	vld [tilespmem:s0+$0x70];
	v9 =	vadd.f32 v57, v10;
	v11 =	vadd.f32 v58, v11  }
0x1b9: {  	s17 =	smov.u32 s9;
	v10 =	vld [tilespmem:s18+$0x70];
	s9 =	spop (v2sf);
	v2 =	vadd.f32 v2, v60;
	v4 =	vadd.f32 v59, v4  }
0x1ba: {  	s14 =	smov.u32 s24;
	s24 =	rddreg [dreg:$0x9];
	v63 =	vld [tilespmem:s9+$0x40]  }
0x1bb: {  	s0 =	rddreg [dreg:$0x5];
	v6 =	vadd.f32 v9, v6;
	v9 =	vld [tilespmem:s24+$0x70];
	[tilespmem:s21+$0xFFFFFF30] =	vst v2;
	v4 =	vadd.f32 v4, v11  }
0x1bc: {  	s28 =	rddreg [dreg:$0x12];
	v2 =	vadd.f32 v3, v8;
	v8 =	vld [tilespmem:s0+$0x70]  }
0x1bd: {  	s19 =	smov.u32 s23;
	s23 =	rddreg [dreg:$0x13];
	v7 =	vadd.f32 v54, v53;
	v3 =	vld [tilespmem:s28+$0x0];
	v4 =	vadd.f32 v4, v6  }
0x1be: {  	v6 =	vadd.f32 v10, v0;
	v10 =	vld [tilespmem:s23+$0x40]  }
0x1bf: {  	s0 =	smov.u32 s28;
	v11 =	vld [tilespmem:s17+$0x40];
	v0 =	vadd.f32 v2, v7;
	v2 =	vadd.f32 v4, v63  }
0x1c0: {  	s28 =	smov.u32 s31;
	v7 =	vld [tilespmem:s31+$0x40];
	s31 =	smov.u32 s17;
	s17 =	rddreg [dreg:$0xa]  }
0x1c1: {  	v4 =	vadd.f32 v0, v5;
	v5 =	vadd.f32 v9, v62;
	v0 =	vld [tilespmem:s17+$0x40];
	[tilespmem:s21+$0x80] =	vst v2  }
0x1c2: {  	v2 =	vld [tilespmem:s3+$0x10]  }
0x1c3: {  	s1 =	sadd.s32 $0x2, s1;
	s22 =	rddreg [dreg:$0x10];
	v5 =	vadd.f32 v5, v6;
	v10 =	vadd.f32 v10, v3;
	v3 =	vld [tilespmem:s6+$0x50]  }
0x1c4: {  	p0 =	slt.u32 s1, $0x7E;
	s12 =	rddreg [dreg:$0xf];
	v9 =	vadd.f32 v4, v61;
	v4 =	vld [tilespmem:s7+$0x50]  }
0x1c5: {  	s18 =	smov.u32 s22;
	s22 =	smov.u32 s12;
	s12 =	smov.u32 s25;
	v7 =	vadd.f32 v11, v7;
	v6 =	vld [tilespmem:s2+$0x50];
	v1 =	vadd.f32 v5, v1  }
.Ltmp0:
0x1c6: {  	[dreg:$0x9] =	wrdreg s12;
	v5 =	vld [tilespmem:s4+$0x50];
	(pc) =	sbr.rel @p0 .LBB2_2-.Ltmp0, $4  }
0x1c7: {  	s24 =	rddreg [dreg:$0xd];
	[tilespmem:s26+$0xFFFFFFA0] =	vst v9;
	v9 =	vadd.f32 v1, v8;
	v1 =	vadd.f32 v7, v10;
	v7 =	vld [tilespmem:s5+$0x50]  }
0x1c8: {  	s8 =	sadd.s32 $0x40, s8;
	s29 =	smov.u32 s17;
	s17 =	rddreg [dreg:$0x8];
	v8 =	vld [tilespmem:s10+$0x50]  }
0x1c9: {  	s12 =	smov.u32 s15;
	s15 =	rddreg [dreg:$0xe];
	s25 =	smov.u32 s24;
	[tilespmem:s17+$0xFFFFFFB0] =	vst v9;
	v9 =	vld [tilespmem:s11+$0x50]  }
0x1ca: {  	s24 =	smov.u32 s15;
	s15 =	smov.u32 s26;
	s26 =	smov.u32 s21;
	v10 =	vld [tilespmem:s18+$0x40]  }
0x1cb: {  	v11 =	vld [tilespmem:s22+$0x40]  }
0x1cc: {  	v12 =	vld [tilespmem:s25+$0x40];
	_ =	sdelay $0x4  }
0x1cd: {  	v0 =	vadd.f32 v10, v0;
	v52 =	vadd.f32 v12, v11  }
0x1ce: {  	v53 =	vld [tilespmem:s24+$0x40]  }
0x1cf: {  	v0 =	vadd.f32 v52, v0;
	_ =	sdelay $0x1  }
0x1d0: {  	v0 =	vadd.f32 v0, v1;
	_ =	sdelay $0x1  }
0x1d1: {  	v0 =	vadd.f32 v0, v53  }
0x1d2: {  	v54 =	vld [tilespmem:s30+$0x30]  }
0x1d3: {  	v58 =	vld [tilespmem:s9+$0x50];
	[tilespmem:s21+$0xFFFFFF80] =	vst v0  }
0x1d4: {  	v0 =	vld [tilespmem:s0+$0x10]  }
0x1d5: {  	v2 =	vadd.f32 v3, v2;
	v55 =	vadd.f32 v6, v4;
	v60 =	vld [tilespmem:s23+$0x50]  }
0x1d6: {  	v56 =	vadd.f32 v7, v5;
	v57 =	vadd.f32 v9, v8;
	v61 =	vld [tilespmem:s28+$0x50]  }
0x1d7: {  	v62 =	vld [tilespmem:s31+$0x50]  }
0x1d8: {  	v2 =	vadd.f32 v55, v2;
	v59 =	vadd.f32 v57, v56;
	v63 =	vld [tilespmem:s29+$0x50]  }
0x1d9: {  	v16 =	vld [tilespmem:s18+$0x50]  }
0x1da: {  	v2 =	vadd.f32 v59, v2;
	v17 =	vld [tilespmem:s22+$0x50]  }
0x1db: {  	v18 =	vld [tilespmem:s25+$0x50]  }
0x1dc: {  	v30 =	vld [tilespmem:s19+$0x70];
	v2 =	vadd.f32 v2, v58  }
0x1dd: {  	v31 =	vld [tilespmem:s20+$0x70]  }
0x1de: {  	v13 =	vld [tilespmem:s16+$0x70];
	[tilespmem:s21+$0x90] =	vst v2  }
0x1df: {  	v19 =	vld [tilespmem:s3+$0x20];
	v0 =	vadd.f32 v60, v0;
	v3 =	vadd.f32 v62, v61  }
0x1e0: {  	v20 =	vld [tilespmem:s6+$0x60];
	v24 =	vadd.f32 v16, v63;
	v2 =	vadd.f32 v18, v17  }
0x1e1: {  	v25 =	vld [tilespmem:s24+$0x50]  }
0x1e2: {  	v21 =	vld [tilespmem:s7+$0x60];
	v0 =	vadd.f32 v3, v0;
	v2 =	vadd.f32 v2, v24  }
0x1e3: {  	v22 =	vld [tilespmem:s2+$0x60]  }
0x1e4: {  	v23 =	vld [tilespmem:s4+$0x60];
	v0 =	vadd.f32 v2, v0  }
0x1e5: {  	v26 =	vld [tilespmem:s5+$0x60]  }
0x1e6: {  	v27 =	vld [tilespmem:s10+$0x60];
	v0 =	vadd.f32 v0, v25  }
0x1e7: {  	v28 =	vld [tilespmem:s11+$0x60]  }
0x1e8: {  	v33 =	vld [tilespmem:s9+$0x60];
	s1 =	rddreg [dreg:$0x4];
	[tilespmem:s26+$0xFFFFFF90] =	vst v0  }
0x1e9: {  	v35 =	vld [tilespmem:s0+$0x20]  }
0x1ea: {  	v36 =	vld [tilespmem:s23+$0x60]  }
0x1eb: {  	v9 =	vadd.f32 v20, v19;
	v32 =	vadd.f32 v22, v21;
	v38 =	vld [tilespmem:s28+$0x60]  }
0x1ec: {  	v34 =	vadd.f32 v26, v23;
	v3 =	vadd.f32 v28, v27;
	v39 =	vld [tilespmem:s31+$0x60]  }
0x1ed: {  	v40 =	vld [tilespmem:s29+$0x60]  }
0x1ee: {  	v37 =	vadd.f32 v32, v9;
	v0 =	vadd.f32 v3, v34;
	v41 =	vld [tilespmem:s18+$0x60]  }
0x1ef: {  	v42 =	vld [tilespmem:s22+$0x60]  }
0x1f0: {  	v43 =	vld [tilespmem:s25+$0x60];
	v0 =	vadd.f32 v0, v37  }
0x1f1: {  	v52 =	vld [tilespmem:s13+$0x70]  }
0x1f2: {  	v53 =	vld [tilespmem:s14+$0x70];
	v0 =	vadd.f32 v0, v33  }
0x1f3: {  	v29 =	vld [tilespmem:s1+$0x70]  }
0x1f4: {  	v46 =	vld [tilespmem:s24+$0x60];
	[tilespmem:s21+$0xA0] =	vst v0;
	v4 =	vadd.f32 v36, v35;
	v3 =	vadd.f32 v39, v38  }
0x1f5: {  	v7 =	vadd.f32 v41, v40;
	v45 =	vadd.f32 v43, v42;
	v0 =	vld [tilespmem:s3+$0x30]  }
0x1f6: {  	v14 =	vld [tilespmem:s6+$0x70]  }
0x1f7: {  	v15 =	vld [tilespmem:s7+$0x70];
	v3 =	vadd.f32 v3, v4;
	v48 =	vadd.f32 v45, v7  }
0x1f8: {  	v44 =	vld [tilespmem:s2+$0x70]  }
0x1f9: {  	v47 =	vld [tilespmem:s4+$0x70];
	v3 =	vadd.f32 v48, v3  }
0x1fa: {  	v49 =	vld [tilespmem:s5+$0x70]  }
0x1fb: {  	v50 =	vld [tilespmem:s10+$0x70];
	v3 =	vadd.f32 v3, v46  }
0x1fc: {  	v51 =	vld [tilespmem:s11+$0x70];
	s21 =	rddreg [dreg:$0x9]  }
0x1fd: {  	v16 =	vld [tilespmem:s21+$0x70];
	[tilespmem:s26+$0xFFFFFFA0] =	vst v3  }
0x1fe: {  	v3 =	vld [tilespmem:s0+$0x30]  }
0x1ff: {  	v17 =	vld [tilespmem:s23+$0x70]  }
0x200: {  	v18 =	vld [tilespmem:s28+$0x70]  }
0x201: {  	v19 =	vld [tilespmem:s31+$0x70]  }
0x202: {  	v20 =	vld [tilespmem:s29+$0x70]  }
0x203: {  	v12 =	vadd.f32 v52, v13;
	v55 =	vld [tilespmem:s18+$0x70]  }
0x204: {  	v1 =	vadd.f32 v29, v54;
	v54 =	vadd.f32 v31, v30;
	v56 =	vld [tilespmem:s22+$0x70]  }
0x205: {  	v0 =	vadd.f32 v14, v0;
	v5 =	vadd.f32 v44, v15;
	v57 =	vld [tilespmem:s25+$0x70]  }
0x206: {  	v7 =	vadd.f32 v49, v47;
	v4 =	vadd.f32 v51, v50  }
0x207: {  	v1 =	vadd.f32 v54, v1;
	v10 =	vadd.f32 v16, v53  }
0x208: {  	v0 =	vadd.f32 v5, v0;
	v4 =	vadd.f32 v4, v7  }
0x209: {  	v61 =	vld [tilespmem:s9+$0x70];
	v3 =	vadd.f32 v17, v3;
	v60 =	vadd.f32 v19, v18  }
0x20a: {  	v59 =	vld [tilespmem:s12+$0x70];
	v6 =	vadd.f32 v55, v20;
	v2 =	vadd.f32 v57, v56  }
0x20b: {  	v58 =	vadd.f32 v10, v12;
	v62 =	vld [tilespmem:s24+$0x70];
	v0 =	vadd.f32 v4, v0  }
0x20c: {  	v3 =	vadd.f32 v60, v3;
	v2 =	vadd.f32 v2, v6  }
0x20d: {  	v1 =	vadd.f32 v58, v1  }
0x20e: {  	v0 =	vadd.f32 v0, v61;
	v2 =	vadd.f32 v2, v3  }
0x20f: {  	v1 =	vadd.f32 v1, v59  }
0x210: {  	[tilespmem:s26+$0xB0] =	vst v0;
	v63 =	vadd.f32 v2, v62  }
0x211: {  	[tilespmem:s15+$0xFFFFFFB0] =	vst v1  }
0x212: {  	s6 =	simm.s32 $0x0;
	[tilespmem:s26+$0xFFFFFFB0] =	vst v63  }
0x213: {  	s2 =	simm.s32 $0x1;
	s29 =	simm.s32 $0x3100;
	s28 =	rddreg [dreg:$0x16]  }
0x214: {  	[hbm4b:s28+s6] =	stream.linear.scatter [tilespmem:s29], [sflag:$0x1], $0x8000, $0x38;
	[tilespmem:$0xB100] =	vst v63  }
0x215: {  	_ =	swait.ge [sflag:s2], $0x8000  }
0x216: {  	s30 =	rddreg [dreg:$0x18]  }
0x217: {  	s31 =	rddreg [dreg:$0x17];
	s1 =	sadd.s32 $0x1, s30  }
0x218: {  	p0 =	sne.s32 s1, s31  }
.Ltmp1:
0x219: {  	_ = 	snop;
	(pc) =	sbr.rel @p0 .LBB2_1-.Ltmp1, $3  }
0x21a: {  	_ =	sdelay $0x1  }
0x21b: {  	[sflag:s2] =	ssyncset.done $0x0  }
0x21c: {  	[sflag:s2] =	ssyncadd.s32 $0xFFFF8000  }
0x21d: {  	_ =	sfence.sel $0x180000  }
0x21e: {  	[bflag:$0x0] =	sbarrier.arrive $0xFFFF  }
0x21f: {  	_ =	strace $0x90000047  }
0x220: {  	s0 =	stileid.u32;
	[bflag:$0x2] =	sbarrier.arrive $0xFFFF  }
0x221: {  	p0 =	sne.s32 s0, $0x0;
	s0 =	rddreg [dreg:$0x3]  }
0x222: {  	s0 =	sadd.s32 @!p0 $0x100000, s0  }
0x223: {  	[sflag:s0] =	ssyncadd.tile.s32 @!p0 $0x1;
	_ =	shalt  }
.Lfunc_end2:
_tile_overlayer_lowered:
.L_overlay_start_2:
0x224: {  	(tag) =	ssettag $0x2  }
0x225: {  	s0 =	rddreg [dreg:$0x0];
	s2 =	stileid.u32  }
0x226: {  	s1 =	rddreg [dreg:$0x1];
	p0 =	sne.s32 s2, $0x0  }
0x227: {  	s3 =	rddreg [dreg:$0x2];
	[bflag:$0x3] =	sbarrier.arrive $0xFFFF;
	s2 =	simm.s32 @!p0 $0x1C01  }
0x228: {  	[timem:s3], [sflag:s2] =	dma.local @!p0 [hbm:s0], s1  }
0x229: {  	s0 =	simm.s32 @!p0 $0x1  }
0x22a: {  	_ =	swait.ge @!p0 [sflag:s0], s1  }
0x22b: {  	s1 =	ssub.s32 @!p0 $0x0, s1;
	[sflag:s0] =	ssyncset.done @!p0 $0x0  }
0x22c: {  	[sflag:s0] =	ssyncadd.s32 @!p0 s1  }
0x22d: {  	[bflag:$0x3] =	sbarrier.arrive $0xFFFF  }
0x22e: {  	_ =	shalt  }

</sc_bundles>
